<compile_context>
chip_gen: v7x
topology: tpu7x:2x2x1
jax: 0.10.2.dev20260603
libtpu: 0.0.44.dev20260713+nightly
codegen_flags: <defaults>
</compile_context>

<pallas_src>
import functools

import jax
import jax.numpy as jnp
from jax import lax
from jax.experimental import pallas as pl
from jax.experimental.pallas import tpu as pltpu
from jax.experimental.pallas import tpu_sc as plsc

VOCAB = 100000
DIM = 128
PAD_IDX = 0
NORM_EPS = 1e-05

_L = 16
_NVREG = DIM // _L
_GATHER = 128
_CHUNK = 256
_NBUF = 3


def _lane_sum16(v):
    lanes = lax.iota(jnp.int32, _L)
    dnums = lax.GatherDimensionNumbers(
        offset_dims=(), collapsed_slice_dims=(0,), start_index_map=(0,))
    for k in (8, 4, 2, 1):
        perm = lanes ^ jnp.int32(k)
        v = v + lax.gather(v, perm[:, None], dnums, (1,),
                           mode=lax.GatherScatterMode.PROMISE_IN_BOUNDS)
    return v


def _rsqrt16(v):
    i = lax.bitcast_convert_type(v, jnp.int32)
    i = jnp.int32(0x5F3759DF) - lax.shift_right_arithmetic(i, jnp.int32(1))
    y = lax.bitcast_convert_type(i, jnp.float32)
    half = jnp.float32(0.5) * v
    y = y * (jnp.float32(1.5) - half * y * y)
    return y


def _sc_body(n_per_w, idx_hbm, table_hbm, gamma_hbm, beta_hbm,
             out_hbm, mask_hbm, idx_v, rows_v, gamma_v, beta_v, mask_v,
             gsem, wsem):
    nc = plsc.get_sparse_core_info().num_cores
    wid = lax.axis_index("s") * nc + lax.axis_index("c")
    base = wid * n_per_w
    nchunks = n_per_w // _CHUNK

    pltpu.sync_copy(gamma_hbm, gamma_v)
    pltpu.sync_copy(beta_hbm, beta_v)
    pltpu.sync_copy(idx_hbm.at[pl.ds(base, n_per_w)], idx_v)

    def start_gather(c, b):
        for h in range(_CHUNK // _GATHER):
            pltpu.async_copy(
                table_hbm.at[idx_v.at[pl.ds(c * _CHUNK + h * _GATHER,
                                            _GATHER)]],
                rows_v.at[b].at[pl.ds(h * _GATHER, _GATHER), :],
                gsem.at[b])

    def wait_gather(b):
        pltpu.make_async_copy(
            table_hbm.at[pl.ds(0, _CHUNK), :], rows_v.at[b], gsem.at[b]).wait()

    def wait_write(b):
        pltpu.make_async_copy(
            rows_v.at[b], out_hbm.at[pl.ds(0, _CHUNK), :], wsem.at[b]).wait()

    for c in range(_NBUF - 1):
        start_gather(c, c)

    def mask_body(j, _):
        iv = idx_v[pl.ds(j * _L, _L)]
        mask_v[pl.ds(j * _L, _L)] = jnp.where(
            iv == jnp.int32(PAD_IDX), jnp.int32(1), jnp.int32(0))
        return _

    lax.fori_loop(0, n_per_w // _L, mask_body, 0, unroll=4)
    pltpu.sync_copy(mask_v, mask_hbm.at[pl.ds(base, n_per_w)])

    gvs = [gamma_v[pl.ds(j * _L, _L)] for j in range(_NVREG)]
    bvs = [beta_v[pl.ds(j * _L, _L)] for j in range(_NVREG)]
    inv_d = jnp.float32(1.0 / DIM)
    eps = jnp.float32(NORM_EPS / DIM)

    def chunk_body(c, _):
        b = c % _NBUF
        pf = c + (_NBUF - 1)

        @pl.when(pf < nchunks)
        def _prefetch():
            pb = pf % _NBUF

            @pl.when(pf >= _NBUF)
            def _reclaim():
                wait_write(pb)

            start_gather(pf, pb)

        wait_gather(b)

        @plsc.parallel_loop(0, _CHUNK, 1, unroll=4)
        def token_body(t):
            vs = [rows_v[b, t, pl.ds(j * _L, _L)] for j in range(_NVREG)]
            sqs = [v * v for v in vs]
            while len(sqs) > 1:
                sqs = [sqs[i] + sqs[i + 1] for i in range(0, len(sqs), 2)]
            ss = list(vs)
            while len(ss) > 1:
                ss = [ss[i] + ss[i + 1] for i in range(0, len(ss), 2)]
            mean = _lane_sum16(ss[0]) * inv_d
            msq = _lane_sum16(sqs[0]) * inv_d
            a = _rsqrt16(msq - mean * mean + eps)
            for j in range(_NVREG):
                rows_v[b, t, pl.ds(j * _L, _L)] = \
                    (vs[j] - mean) * (a * gvs[j]) + bvs[j]

        pltpu.async_copy(
            rows_v.at[b], out_hbm.at[pl.ds(base + c * _CHUNK, _CHUNK), :],
            wsem.at[b])
        return _

    lax.fori_loop(0, nchunks, chunk_body, 0, unroll=False)

    for b in range(_NBUF):
        wait_write(b)


@jax.jit
def kernel(token_indices, table, gamma, beta):
    bsz, seqlen = token_indices.shape
    n = bsz * seqlen
    info = plsc.get_sparse_core_info()
    nw = info.num_cores * info.num_subcores
    n_per_w = n // nw
    assert n_per_w * nw == n and n_per_w % _CHUNK == 0
    assert n_per_w // _CHUNK >= _NBUF

    idx_flat = token_indices.reshape(n).astype(jnp.int32)
    mesh = plsc.VectorSubcoreMesh(core_axis_name="c", subcore_axis_name="s")
    run = pl.kernel(
        functools.partial(_sc_body, n_per_w),
        mesh=mesh,
        out_type=(
            jax.ShapeDtypeStruct((n, DIM), jnp.float32),
            jax.ShapeDtypeStruct((n,), jnp.int32),
        ),
        scratch_types=[
            pltpu.VMEM((n_per_w,), jnp.int32),
            pltpu.VMEM((_NBUF, _CHUNK, DIM), jnp.float32),
            pltpu.VMEM((DIM,), jnp.float32),
            pltpu.VMEM((DIM,), jnp.float32),
            pltpu.VMEM((n_per_w,), jnp.int32),
            pltpu.SemaphoreType.DMA((_NBUF,)),
            pltpu.SemaphoreType.DMA((_NBUF,)),
        ],
    )
    out_flat, mask_flat = run(idx_flat, table, gamma, beta)
    embeds = out_flat.reshape(bsz, seqlen, DIM)
    padding_mask = mask_flat.reshape(bsz, seqlen).astype(jnp.bool_)
    return embeds, padding_mask

# --- scband reference (transcript-rebuilt; emitter-appended) ---
"""Pipeline reference for scband-transformer-token-frontend-73005854097746 (READ-ONLY COPY).

The authoritative reference and input builder live on the scoring server;
editing this copy changes nothing except your own understanding.
"""

import math
import jax, jax.numpy as jnp
import numpy as np

VOCAB = 100000
DIM = 128
PAD_IDX = 0
NORM_EPS = 1e-05


def setup_inputs(seed: int = 0) -> dict:
    key = jax.random.key(seed)
    k1, k2 = jax.random.split(key, 2)
    token_indices = jax.random.randint(k1, (1024, 200), 0, VOCAB, dtype=jnp.int64 if jax.config.read('jax_enable_x64') else jnp.int32)
    table = jax.random.normal(k2, (VOCAB, DIM), dtype=jnp.float32) * 0.02
    gamma = jnp.ones((DIM,), dtype=jnp.float32)
    beta = jnp.zeros((DIM,), dtype=jnp.float32)
    return {"token_indices": token_indices, "table": table, "gamma": gamma, "beta": beta}


def reference(token_indices, table, gamma, beta):
    # Embedding lookup (gather) -- SparseCore-friendly
    embeds = jnp.take(table, token_indices, axis=0)
    # scale by sqrt(embedding_dim) (no_scale=False)
    embeds = embeds * math.sqrt(DIM)
    # pos_embed is None -> skipped
    # LayerNorm (norm=True)
    mean = jnp.mean(embeds, axis=-1, keepdims=True)
    var = jnp.mean(jnp.square(embeds - mean), axis=-1, keepdims=True)
    embeds = (embeds - mean) / jnp.sqrt(var + NORM_EPS) * gamma + beta
    # dropout_p = 0.0 -> skipped (deterministic)
    # padding mask from padding_idx
    padding_mask = token_indices == PAD_IDX
    return embeds, padding_mask

if __name__ == "__main__":
    import jax
    _d = setup_inputs()
    print(jax.jit(kernel)(*tuple(_d.values())))

</pallas_src>

<mosaic_0001>
#map = affine_map<(d0, d1) -> (0)>
#map1 = affine_map<(d0, d1) -> (0, 0)>
module attributes {stable_mosaic.version = 14 : i64} {
  func.func @_sc_body(%arg0: i32, %arg1: i32, %arg2: memref<204800xi32, #tpu.memory_space<hbm>>, %arg3: memref<100000x128xf32, #tpu.memory_space<hbm>>, %arg4: memref<128xf32, #tpu.memory_space<hbm>>, %arg5: memref<128xf32, #tpu.memory_space<hbm>>, %arg6: memref<204800x128xf32, #tpu.memory_space<hbm>>, %arg7: memref<204800xi32, #tpu.memory_space<hbm>>, %arg8: memref<6400xi32, #tpu.memory_space<vmem>>, %arg9: memref<3x256x128xf32, #tpu.memory_space<vmem>>, %arg10: memref<128xf32, #tpu.memory_space<vmem>>, %arg11: memref<128xf32, #tpu.memory_space<vmem>>, %arg12: memref<6400xi32, #tpu.memory_space<vmem>>, %arg13: memref<3x!tpu.dma_semaphore, #tpu.memory_space<semaphore_mem>>, %arg14: memref<3x!tpu.dma_semaphore, #tpu.memory_space<semaphore_mem>>) attributes {dimension_semantics = [#tpu.dimension_semantics<core_parallel>, #tpu.dimension_semantics<subcore_parallel>], iteration_bounds = array<i64: 2, 16>, scalar_prefetch = 0 : i64, scratch_operands = 7 : i64, tpu.core_type = #tpu.core_type<sc_vector_subcore>, window_params = [{transform_indices = #map}, {transform_indices = #map1}, {transform_indices = #map}, {transform_indices = #map}, {transform_indices = #map1}, {transform_indices = #map}]} {
    %mul3A = arith.constant 2 : i32
    %mul3A_0 = arith.muli %arg1, %mul3A : i32
    %add3A = arith.addi %mul3A_0, %arg0 : i32
    %mul3A_1 = arith.constant 6400 : i32
    %mul3A_2 = arith.muli %add3A, %mul3A_1 : i32
    "tpu.region"() ({
      %run_scoped3A = tpu.sem_alloc : memref<!tpu.dma_semaphore, #tpu.memory_space<semaphore_mem>>
      tpu.enqueue_dma source(%arg4 : memref<128xf32, #tpu.memory_space<hbm>>) target(%arg10 : memref<128xf32, #tpu.memory_space<vmem>>) target_semaphore(%run_scoped3A : memref<!tpu.dma_semaphore, #tpu.memory_space<semaphore_mem>>)
      tpu.wait_dma2 semaphore(%run_scoped3A : memref<!tpu.dma_semaphore, #tpu.memory_space<semaphore_mem>>) src(%arg4 : memref<128xf32, #tpu.memory_space<hbm>>) dst(%arg10 : memref<128xf32, #tpu.memory_space<vmem>>)
      tpu.yield
    }) : () -> ()
    "tpu.region"() ({
      %run_scoped3A = tpu.sem_alloc : memref<!tpu.dma_semaphore, #tpu.memory_space<semaphore_mem>>
      tpu.enqueue_dma source(%arg5 : memref<128xf32, #tpu.memory_space<hbm>>) target(%arg11 : memref<128xf32, #tpu.memory_space<vmem>>) target_semaphore(%run_scoped3A : memref<!tpu.dma_semaphore, #tpu.memory_space<semaphore_mem>>)
      tpu.wait_dma2 semaphore(%run_scoped3A : memref<!tpu.dma_semaphore, #tpu.memory_space<semaphore_mem>>) src(%arg5 : memref<128xf32, #tpu.memory_space<hbm>>) dst(%arg11 : memref<128xf32, #tpu.memory_space<vmem>>)
      tpu.yield
    }) : () -> ()
    "tpu.region"() ({
      %run_scoped3A = tpu.sem_alloc : memref<!tpu.dma_semaphore, #tpu.memory_space<semaphore_mem>>
      %dma_start3A_179 = tpu.memref_slice %arg2[%mul3A_2] : memref<204800xi32, #tpu.memory_space<hbm>> -> memref<6400xi32, #tpu.memory_space<hbm>>
      %dma_start3A_180 = tpu.memref_slice %arg2[%mul3A_2] : memref<204800xi32, #tpu.memory_space<hbm>> -> memref<6400xi32, #tpu.memory_space<hbm>>
      tpu.enqueue_dma source(%dma_start3A_180 : memref<6400xi32, #tpu.memory_space<hbm>>) target(%arg8 : memref<6400xi32, #tpu.memory_space<vmem>>) target_semaphore(%run_scoped3A : memref<!tpu.dma_semaphore, #tpu.memory_space<semaphore_mem>>)
      %dma_wait3A_181 = tpu.memref_slice %arg2[%mul3A_2] : memref<204800xi32, #tpu.memory_space<hbm>> -> memref<6400xi32, #tpu.memory_space<hbm>>
      %dma_wait3A_182 = tpu.memref_slice %arg2[%mul3A_2] : memref<204800xi32, #tpu.memory_space<hbm>> -> memref<6400xi32, #tpu.memory_space<hbm>>
      tpu.wait_dma2 semaphore(%run_scoped3A : memref<!tpu.dma_semaphore, #tpu.memory_space<semaphore_mem>>) src(%dma_wait3A_182 : memref<6400xi32, #tpu.memory_space<hbm>>) dst(%arg8 : memref<6400xi32, #tpu.memory_space<vmem>>)
      tpu.yield
    }) : () -> ()
    %dma_start3A = arith.constant 0 : i32
    %dma_start3A_3 = arith.constant 0 : i32
    %dma_start3A_4 = arith.constant 0 : i32
    %dma_start3A_5 = arith.constant 0 : i32
    %dma_start3A_6 = tpu.memref_slice %arg9[%dma_start3A, %dma_start3A_4, %dma_start3A_5] : memref<3x256x128xf32, #tpu.memory_space<vmem>> -> memref<1x256x128xf32, #tpu.memory_space<vmem>>
    %dma_start3A_7 = tpu.memref_squeeze %dma_start3A_6 : memref<1x256x128xf32, #tpu.memory_space<vmem>> -> memref<256x128xf32, #tpu.memory_space<vmem>>
    %dma_start3A_8 = arith.constant 0 : i32
    %dma_start3A_9 = arith.constant 0 : i32
    %dma_start3A_10 = tpu.memref_slice %dma_start3A_7[%dma_start3A_8, %dma_start3A_9] : memref<256x128xf32, #tpu.memory_space<vmem>> -> memref<128x128xf32, #tpu.memory_space<vmem>>
    %dma_start3A_11 = arith.constant 0 : i32
    %dma_start3A_12 = tpu.memref_slice %arg8[%dma_start3A_11] : memref<6400xi32, #tpu.memory_space<vmem>> -> memref<128xi32, #tpu.memory_space<vmem>>
    %dma_start3A_13 = arith.constant 0 : i32
    %dma_start3A_14 = arith.constant 0 : i32
    %dma_start3A_15 = tpu.memref_slice %arg3[%dma_start3A_13, %dma_start3A_14] : memref<100000x128xf32, #tpu.memory_space<hbm>> -> memref<100000x128xf32, #tpu.memory_space<hbm>>
    %dma_start3A_16 = tpu.memref_slice %arg13[%dma_start3A_3] : memref<3x!tpu.dma_semaphore, #tpu.memory_space<semaphore_mem>> -> memref<1x!tpu.dma_semaphore, #tpu.memory_space<semaphore_mem>>
    %dma_start3A_17 = tpu.memref_squeeze %dma_start3A_16 : memref<1x!tpu.dma_semaphore, #tpu.memory_space<semaphore_mem>> -> memref<!tpu.dma_semaphore, #tpu.memory_space<semaphore_mem>>
    tpu.enqueue_indirect_dma source(%dma_start3A_15 : memref<100000x128xf32, #tpu.memory_space<hbm>>) target(%dma_start3A_10 : memref<128x128xf32, #tpu.memory_space<vmem>>) offsets(%dma_start3A_12 : memref<128xi32, #tpu.memory_space<vmem>>) semaphore(%dma_start3A_17 : memref<!tpu.dma_semaphore, #tpu.memory_space<semaphore_mem>>)
    %dma_start3A_18 = arith.constant 0 : i32
    %dma_start3A_19 = arith.constant 0 : i32
    %dma_start3A_20 = arith.constant 0 : i32
    %dma_start3A_21 = arith.constant 0 : i32
    %dma_start3A_22 = tpu.memref_slice %arg9[%dma_start3A_18, %dma_start3A_20, %dma_start3A_21] : memref<3x256x128xf32, #tpu.memory_space<vmem>> -> memref<1x256x128xf32, #tpu.memory_space<vmem>>
    %dma_start3A_23 = tpu.memref_squeeze %dma_start3A_22 : memref<1x256x128xf32, #tpu.memory_space<vmem>> -> memref<256x128xf32, #tpu.memory_space<vmem>>
    %dma_start3A_24 = arith.constant 128 : i32
    %dma_start3A_25 = arith.constant 0 : i32
    %dma_start3A_26 = tpu.memref_slice %dma_start3A_23[%dma_start3A_24, %dma_start3A_25] : memref<256x128xf32, #tpu.memory_space<vmem>> -> memref<128x128xf32, #tpu.memory_space<vmem>>
    %dma_start3A_27 = arith.constant 128 : i32
    %dma_start3A_28 = tpu.memref_slice %arg8[%dma_start3A_27] : memref<6400xi32, #tpu.memory_space<vmem>> -> memref<128xi32, #tpu.memory_space<vmem>>
    %dma_start3A_29 = arith.constant 0 : i32
    %dma_start3A_30 = arith.constant 0 : i32
    %dma_start3A_31 = tpu.memref_slice %arg3[%dma_start3A_29, %dma_start3A_30] : memref<100000x128xf32, #tpu.memory_space<hbm>> -> memref<100000x128xf32, #tpu.memory_space<hbm>>
    %dma_start3A_32 = tpu.memref_slice %arg13[%dma_start3A_19] : memref<3x!tpu.dma_semaphore, #tpu.memory_space<semaphore_mem>> -> memref<1x!tpu.dma_semaphore, #tpu.memory_space<semaphore_mem>>
    %dma_start3A_33 = tpu.memref_squeeze %dma_start3A_32 : memref<1x!tpu.dma_semaphore, #tpu.memory_space<semaphore_mem>> -> memref<!tpu.dma_semaphore, #tpu.memory_space<semaphore_mem>>
    tpu.enqueue_indirect_dma source(%dma_start3A_31 : memref<100000x128xf32, #tpu.memory_space<hbm>>) target(%dma_start3A_26 : memref<128x128xf32, #tpu.memory_space<vmem>>) offsets(%dma_start3A_28 : memref<128xi32, #tpu.memory_space<vmem>>) semaphore(%dma_start3A_33 : memref<!tpu.dma_semaphore, #tpu.memory_space<semaphore_mem>>)
    %dma_start3A_34 = arith.constant 1 : i32
    %dma_start3A_35 = arith.constant 1 : i32
    %dma_start3A_36 = arith.constant 0 : i32
    %dma_start3A_37 = arith.constant 0 : i32
    %dma_start3A_38 = tpu.memref_slice %arg9[%dma_start3A_34, %dma_start3A_36, %dma_start3A_37] : memref<3x256x128xf32, #tpu.memory_space<vmem>> -> memref<1x256x128xf32, #tpu.memory_space<vmem>>
    %dma_start3A_39 = tpu.memref_squeeze %dma_start3A_38 : memref<1x256x128xf32, #tpu.memory_space<vmem>> -> memref<256x128xf32, #tpu.memory_space<vmem>>
    %dma_start3A_40 = arith.constant 0 : i32
    %dma_start3A_41 = arith.constant 0 : i32
    %dma_start3A_42 = tpu.memref_slice %dma_start3A_39[%dma_start3A_40, %dma_start3A_41] : memref<256x128xf32, #tpu.memory_space<vmem>> -> memref<128x128xf32, #tpu.memory_space<vmem>>
    %dma_start3A_43 = arith.constant 256 : i32
    %dma_start3A_44 = tpu.memref_slice %arg8[%dma_start3A_43] : memref<6400xi32, #tpu.memory_space<vmem>> -> memref<128xi32, #tpu.memory_space<vmem>>
    %dma_start3A_45 = arith.constant 0 : i32
    %dma_start3A_46 = arith.constant 0 : i32
    %dma_start3A_47 = tpu.memref_slice %arg3[%dma_start3A_45, %dma_start3A_46] : memref<100000x128xf32, #tpu.memory_space<hbm>> -> memref<100000x128xf32, #tpu.memory_space<hbm>>
    %dma_start3A_48 = tpu.memref_slice %arg13[%dma_start3A_35] : memref<3x!tpu.dma_semaphore, #tpu.memory_space<semaphore_mem>> -> memref<1x!tpu.dma_semaphore, #tpu.memory_space<semaphore_mem>>
    %dma_start3A_49 = tpu.memref_squeeze %dma_start3A_48 : memref<1x!tpu.dma_semaphore, #tpu.memory_space<semaphore_mem>> -> memref<!tpu.dma_semaphore, #tpu.memory_space<semaphore_mem>>
    tpu.enqueue_indirect_dma source(%dma_start3A_47 : memref<100000x128xf32, #tpu.memory_space<hbm>>) target(%dma_start3A_42 : memref<128x128xf32, #tpu.memory_space<vmem>>) offsets(%dma_start3A_44 : memref<128xi32, #tpu.memory_space<vmem>>) semaphore(%dma_start3A_49 : memref<!tpu.dma_semaphore, #tpu.memory_space<semaphore_mem>>)
    %dma_start3A_50 = arith.constant 1 : i32
    %dma_start3A_51 = arith.constant 1 : i32
    %dma_start3A_52 = arith.constant 0 : i32
    %dma_start3A_53 = arith.constant 0 : i32
    %dma_start3A_54 = tpu.memref_slice %arg9[%dma_start3A_50, %dma_start3A_52, %dma_start3A_53] : memref<3x256x128xf32, #tpu.memory_space<vmem>> -> memref<1x256x128xf32, #tpu.memory_space<vmem>>
    %dma_start3A_55 = tpu.memref_squeeze %dma_start3A_54 : memref<1x256x128xf32, #tpu.memory_space<vmem>> -> memref<256x128xf32, #tpu.memory_space<vmem>>
    %dma_start3A_56 = arith.constant 128 : i32
    %dma_start3A_57 = arith.constant 0 : i32
    %dma_start3A_58 = tpu.memref_slice %dma_start3A_55[%dma_start3A_56, %dma_start3A_57] : memref<256x128xf32, #tpu.memory_space<vmem>> -> memref<128x128xf32, #tpu.memory_space<vmem>>
    %dma_start3A_59 = arith.constant 384 : i32
    %dma_start3A_60 = tpu.memref_slice %arg8[%dma_start3A_59] : memref<6400xi32, #tpu.memory_space<vmem>> -> memref<128xi32, #tpu.memory_space<vmem>>
    %dma_start3A_61 = arith.constant 0 : i32
    %dma_start3A_62 = arith.constant 0 : i32
    %dma_start3A_63 = tpu.memref_slice %arg3[%dma_start3A_61, %dma_start3A_62] : memref<100000x128xf32, #tpu.memory_space<hbm>> -> memref<100000x128xf32, #tpu.memory_space<hbm>>
    %dma_start3A_64 = tpu.memref_slice %arg13[%dma_start3A_51] : memref<3x!tpu.dma_semaphore, #tpu.memory_space<semaphore_mem>> -> memref<1x!tpu.dma_semaphore, #tpu.memory_space<semaphore_mem>>
    %dma_start3A_65 = tpu.memref_squeeze %dma_start3A_64 : memref<1x!tpu.dma_semaphore, #tpu.memory_space<semaphore_mem>> -> memref<!tpu.dma_semaphore, #tpu.memory_space<semaphore_mem>>
    tpu.enqueue_indirect_dma source(%dma_start3A_63 : memref<100000x128xf32, #tpu.memory_space<hbm>>) target(%dma_start3A_58 : memref<128x128xf32, #tpu.memory_space<vmem>>) offsets(%dma_start3A_60 : memref<128xi32, #tpu.memory_space<vmem>>) semaphore(%dma_start3A_65 : memref<!tpu.dma_semaphore, #tpu.memory_space<semaphore_mem>>)
    %scan3A = arith.constant 0 : i32
    %scan3A_66 = arith.constant 0 : i32
    %scan3A_67 = arith.constant 400 : i32
    %scan3A_68 = arith.addi %scan3A_66, %scan3A_67 : i32
    %scan3A_69 = arith.constant 4 : i32
    scf.for %scan3A_179 = %scan3A_66 to %scan3A_68 step %scan3A_69  : i32 {
      %mul3A_180 = arith.constant 16 : i32
      %mul3A_181 = arith.muli %scan3A_179, %mul3A_180 : i32
      %get3A_182 = arith.index_cast %mul3A_181 : i32 to index
      %get3A_183 = tpu.vector_load %arg8[%get3A_182] {strides = array<i32>} : memref<6400xi32, #tpu.memory_space<vmem>>, vector<16xi32>,
      %get3A_184 = vector.shape_cast %get3A_183 : vector<16xi32> to vector<16xi32>
      %eq3A = arith.constant 0 : i32
      %eq3A_185 = vector.broadcast %eq3A : i32 to vector<16xi32>
      %eq3A_186 = arith.cmpi eq, %get3A_184, %eq3A_185 : vector<16xi32>
      %jit3A = arith.constant 1 : i32
      %jit3A_187 = arith.constant 0 : i32
      %broadcast_in_dim3A = vector.broadcast %jit3A : i32 to vector<16xi32>
      %broadcast_in_dim3A_188 = vector.broadcast %jit3A_187 : i32 to vector<16xi32>
      %select_n3A = arith.select %eq3A_186, %broadcast_in_dim3A, %broadcast_in_dim3A_188 : vector<16xi1>, vector<16xi32>
      %mul3A_189 = arith.constant 16 : i32
      %mul3A_190 = arith.muli %scan3A_179, %mul3A_189 : i32
      %swap3A = arith.index_cast %mul3A_190 : i32 to index
      %swap3A_191 = tpu.vector_load %arg12[%swap3A] {strides = array<i32>} : memref<6400xi32, #tpu.memory_space<vmem>>, vector<16xi32>,
      %swap3A_192 = vector.shape_cast %swap3A_191 : vector<16xi32> to vector<16xi32>
      %swap3A_193 = vector.shape_cast %select_n3A : vector<16xi32> to vector<16xi32>
      tpu.vector_store %arg12[%swap3A], %swap3A_193 {strides = array<i32>} : memref<6400xi32, #tpu.memory_space<vmem>>, vector<16xi32>,
      %scan3A_194 = arith.constant 1 : i32
      %scan3A_195 = arith.addi %scan3A_179, %scan3A_194 : i32
      %mul3A_196 = arith.constant 16 : i32
      %mul3A_197 = arith.muli %scan3A_195, %mul3A_196 : i32
      %get3A_198 = arith.index_cast %mul3A_197 : i32 to index
      %get3A_199 = tpu.vector_load %arg8[%get3A_198] {strides = array<i32>} : memref<6400xi32, #tpu.memory_space<vmem>>, vector<16xi32>,
      %get3A_200 = vector.shape_cast %get3A_199 : vector<16xi32> to vector<16xi32>
      %eq3A_201 = arith.constant 0 : i32
      %eq3A_202 = vector.broadcast %eq3A_201 : i32 to vector<16xi32>
      %eq3A_203 = arith.cmpi eq, %get3A_200, %eq3A_202 : vector<16xi32>
      %jit3A_204 = arith.constant 1 : i32
      %jit3A_205 = arith.constant 0 : i32
      %broadcast_in_dim3A_206 = vector.broadcast %jit3A_204 : i32 to vector<16xi32>
      %broadcast_in_dim3A_207 = vector.broadcast %jit3A_205 : i32 to vector<16xi32>
      %select_n3A_208 = arith.select %eq3A_203, %broadcast_in_dim3A_206, %broadcast_in_dim3A_207 : vector<16xi1>, vector<16xi32>
      %mul3A_209 = arith.constant 16 : i32
      %mul3A_210 = arith.muli %scan3A_195, %mul3A_209 : i32
      %swap3A_211 = arith.index_cast %mul3A_210 : i32 to index
      %swap3A_212 = tpu.vector_load %arg12[%swap3A_211] {strides = array<i32>} : memref<6400xi32, #tpu.memory_space<vmem>>, vector<16xi32>,
      %swap3A_213 = vector.shape_cast %swap3A_212 : vector<16xi32> to vector<16xi32>
      %swap3A_214 = vector.shape_cast %select_n3A_208 : vector<16xi32> to vector<16xi32>
      tpu.vector_store %arg12[%swap3A_211], %swap3A_214 {strides = array<i32>} : memref<6400xi32, #tpu.memory_space<vmem>>, vector<16xi32>,
      %scan3A_215 = arith.constant 2 : i32
      %scan3A_216 = arith.addi %scan3A_179, %scan3A_215 : i32
      %mul3A_217 = arith.constant 16 : i32
      %mul3A_218 = arith.muli %scan3A_216, %mul3A_217 : i32
      %get3A_219 = arith.index_cast %mul3A_218 : i32 to index
      %get3A_220 = tpu.vector_load %arg8[%get3A_219] {strides = array<i32>} : memref<6400xi32, #tpu.memory_space<vmem>>, vector<16xi32>,
      %get3A_221 = vector.shape_cast %get3A_220 : vector<16xi32> to vector<16xi32>
      %eq3A_222 = arith.constant 0 : i32
      %eq3A_223 = vector.broadcast %eq3A_222 : i32 to vector<16xi32>
      %eq3A_224 = arith.cmpi eq, %get3A_221, %eq3A_223 : vector<16xi32>
      %jit3A_225 = arith.constant 1 : i32
      %jit3A_226 = arith.constant 0 : i32
      %broadcast_in_dim3A_227 = vector.broadcast %jit3A_225 : i32 to vector<16xi32>
      %broadcast_in_dim3A_228 = vector.broadcast %jit3A_226 : i32 to vector<16xi32>
      %select_n3A_229 = arith.select %eq3A_224, %broadcast_in_dim3A_227, %broadcast_in_dim3A_228 : vector<16xi1>, vector<16xi32>
      %mul3A_230 = arith.constant 16 : i32
      %mul3A_231 = arith.muli %scan3A_216, %mul3A_230 : i32
      %swap3A_232 = arith.index_cast %mul3A_231 : i32 to index
      %swap3A_233 = tpu.vector_load %arg12[%swap3A_232] {strides = array<i32>} : memref<6400xi32, #tpu.memory_space<vmem>>, vector<16xi32>,
      %swap3A_234 = vector.shape_cast %swap3A_233 : vector<16xi32> to vector<16xi32>
      %swap3A_235 = vector.shape_cast %select_n3A_229 : vector<16xi32> to vector<16xi32>
      tpu.vector_store %arg12[%swap3A_232], %swap3A_235 {strides = array<i32>} : memref<6400xi32, #tpu.memory_space<vmem>>, vector<16xi32>,
      %scan3A_236 = arith.constant 3 : i32
      %scan3A_237 = arith.addi %scan3A_179, %scan3A_236 : i32
      %mul3A_238 = arith.constant 16 : i32
      %mul3A_239 = arith.muli %scan3A_237, %mul3A_238 : i32
      %get3A_240 = arith.index_cast %mul3A_239 : i32 to index
      %get3A_241 = tpu.vector_load %arg8[%get3A_240] {strides = array<i32>} : memref<6400xi32, #tpu.memory_space<vmem>>, vector<16xi32>,
      %get3A_242 = vector.shape_cast %get3A_241 : vector<16xi32> to vector<16xi32>
      %eq3A_243 = arith.constant 0 : i32
      %eq3A_244 = vector.broadcast %eq3A_243 : i32 to vector<16xi32>
      %eq3A_245 = arith.cmpi eq, %get3A_242, %eq3A_244 : vector<16xi32>
      %jit3A_246 = arith.constant 1 : i32
      %jit3A_247 = arith.constant 0 : i32
      %broadcast_in_dim3A_248 = vector.broadcast %jit3A_246 : i32 to vector<16xi32>
      %broadcast_in_dim3A_249 = vector.broadcast %jit3A_247 : i32 to vector<16xi32>
      %select_n3A_250 = arith.select %eq3A_245, %broadcast_in_dim3A_248, %broadcast_in_dim3A_249 : vector<16xi1>, vector<16xi32>
      %mul3A_251 = arith.constant 16 : i32
      %mul3A_252 = arith.muli %scan3A_237, %mul3A_251 : i32
      %swap3A_253 = arith.index_cast %mul3A_252 : i32 to index
      %swap3A_254 = tpu.vector_load %arg12[%swap3A_253] {strides = array<i32>} : memref<6400xi32, #tpu.memory_space<vmem>>, vector<16xi32>,
      %swap3A_255 = vector.shape_cast %swap3A_254 : vector<16xi32> to vector<16xi32>
      %swap3A_256 = vector.shape_cast %select_n3A_250 : vector<16xi32> to vector<16xi32>
      tpu.vector_store %arg12[%swap3A_253], %swap3A_256 {strides = array<i32>} : memref<6400xi32, #tpu.memory_space<vmem>>, vector<16xi32>,
    }
    %scan3A_70 = arith.constant 400 : i32
    "tpu.region"() ({
      %run_scoped3A = tpu.sem_alloc : memref<!tpu.dma_semaphore, #tpu.memory_space<semaphore_mem>>
      %dma_start3A_179 = tpu.memref_slice %arg7[%mul3A_2] : memref<204800xi32, #tpu.memory_space<hbm>> -> memref<6400xi32, #tpu.memory_space<hbm>>
      %dma_start3A_180 = tpu.memref_slice %arg7[%mul3A_2] : memref<204800xi32, #tpu.memory_space<hbm>> -> memref<6400xi32, #tpu.memory_space<hbm>>
      tpu.enqueue_dma source(%arg12 : memref<6400xi32, #tpu.memory_space<vmem>>) target(%dma_start3A_180 : memref<6400xi32, #tpu.memory_space<hbm>>) target_semaphore(%run_scoped3A : memref<!tpu.dma_semaphore, #tpu.memory_space<semaphore_mem>>)
      %dma_wait3A_181 = tpu.memref_slice %arg7[%mul3A_2] : memref<204800xi32, #tpu.memory_space<hbm>> -> memref<6400xi32, #tpu.memory_space<hbm>>
      %dma_wait3A_182 = tpu.memref_slice %arg7[%mul3A_2] : memref<204800xi32, #tpu.memory_space<hbm>> -> memref<6400xi32, #tpu.memory_space<hbm>>
      tpu.wait_dma2 semaphore(%run_scoped3A : memref<!tpu.dma_semaphore, #tpu.memory_space<semaphore_mem>>) src(%arg12 : memref<6400xi32, #tpu.memory_space<vmem>>) dst(%dma_wait3A_182 : memref<6400xi32, #tpu.memory_space<hbm>>)
      tpu.yield
    }) : () -> ()
    %get3A = arith.constant 0 : index
    %get3A_71 = tpu.vector_load %arg10[%get3A] {strides = array<i32>} : memref<128xf32, #tpu.memory_space<vmem>>, vector<16xf32>,
    %get3A_72 = vector.shape_cast %get3A_71 : vector<16xf32> to vector<16xf32>
    %get3A_73 = arith.constant 16 : index
    %get3A_74 = tpu.vector_load %arg10[%get3A_73] {strides = array<i32>} : memref<128xf32, #tpu.memory_space<vmem>>, vector<16xf32>,
    %get3A_75 = vector.shape_cast %get3A_74 : vector<16xf32> to vector<16xf32>
    %get3A_76 = arith.constant 32 : index
    %get3A_77 = tpu.vector_load %arg10[%get3A_76] {strides = array<i32>} : memref<128xf32, #tpu.memory_space<vmem>>, vector<16xf32>,
    %get3A_78 = vector.shape_cast %get3A_77 : vector<16xf32> to vector<16xf32>
    %get3A_79 = arith.constant 48 : index
    %get3A_80 = tpu.vector_load %arg10[%get3A_79] {strides = array<i32>} : memref<128xf32, #tpu.memory_space<vmem>>, vector<16xf32>,
    %get3A_81 = vector.shape_cast %get3A_80 : vector<16xf32> to vector<16xf32>
    %get3A_82 = arith.constant 64 : index
    %get3A_83 = tpu.vector_load %arg10[%get3A_82] {strides = array<i32>} : memref<128xf32, #tpu.memory_space<vmem>>, vector<16xf32>,
    %get3A_84 = vector.shape_cast %get3A_83 : vector<16xf32> to vector<16xf32>
    %get3A_85 = arith.constant 80 : index
    %get3A_86 = tpu.vector_load %arg10[%get3A_85] {strides = array<i32>} : memref<128xf32, #tpu.memory_space<vmem>>, vector<16xf32>,
    %get3A_87 = vector.shape_cast %get3A_86 : vector<16xf32> to vector<16xf32>
    %get3A_88 = arith.constant 96 : index
    %get3A_89 = tpu.vector_load %arg10[%get3A_88] {strides = array<i32>} : memref<128xf32, #tpu.memory_space<vmem>>, vector<16xf32>,
    %get3A_90 = vector.shape_cast %get3A_89 : vector<16xf32> to vector<16xf32>
    %get3A_91 = arith.constant 112 : index
    %get3A_92 = tpu.vector_load %arg10[%get3A_91] {strides = array<i32>} : memref<128xf32, #tpu.memory_space<vmem>>, vector<16xf32>,
    %get3A_93 = vector.shape_cast %get3A_92 : vector<16xf32> to vector<16xf32>
    %get3A_94 = arith.constant 0 : index
    %get3A_95 = tpu.vector_load %arg11[%get3A_94] {strides = array<i32>} : memref<128xf32, #tpu.memory_space<vmem>>, vector<16xf32>,
    %get3A_96 = vector.shape_cast %get3A_95 : vector<16xf32> to vector<16xf32>
    %get3A_97 = arith.constant 16 : index
    %get3A_98 = tpu.vector_load %arg11[%get3A_97] {strides = array<i32>} : memref<128xf32, #tpu.memory_space<vmem>>, vector<16xf32>,
    %get3A_99 = vector.shape_cast %get3A_98 : vector<16xf32> to vector<16xf32>
    %get3A_100 = arith.constant 32 : index
    %get3A_101 = tpu.vector_load %arg11[%get3A_100] {strides = array<i32>} : memref<128xf32, #tpu.memory_space<vmem>>, vector<16xf32>,
    %get3A_102 = vector.shape_cast %get3A_101 : vector<16xf32> to vector<16xf32>
    %get3A_103 = arith.constant 48 : index
    %get3A_104 = tpu.vector_load %arg11[%get3A_103] {strides = array<i32>} : memref<128xf32, #tpu.memory_space<vmem>>, vector<16xf32>,
    %get3A_105 = vector.shape_cast %get3A_104 : vector<16xf32> to vector<16xf32>
    %get3A_106 = arith.constant 64 : index
    %get3A_107 = tpu.vector_load %arg11[%get3A_106] {strides = array<i32>} : memref<128xf32, #tpu.memory_space<vmem>>, vector<16xf32>,
    %get3A_108 = vector.shape_cast %get3A_107 : vector<16xf32> to vector<16xf32>
    %get3A_109 = arith.constant 80 : index
    %get3A_110 = tpu.vector_load %arg11[%get3A_109] {strides = array<i32>} : memref<128xf32, #tpu.memory_space<vmem>>, vector<16xf32>,
    %get3A_111 = vector.shape_cast %get3A_110 : vector<16xf32> to vector<16xf32>
    %get3A_112 = arith.constant 96 : index
    %get3A_113 = tpu.vector_load %arg11[%get3A_112] {strides = array<i32>} : memref<128xf32, #tpu.memory_space<vmem>>, vector<16xf32>,
    %get3A_114 = vector.shape_cast %get3A_113 : vector<16xf32> to vector<16xf32>
    %get3A_115 = arith.constant 112 : index
    %get3A_116 = tpu.vector_load %arg11[%get3A_115] {strides = array<i32>} : memref<128xf32, #tpu.memory_space<vmem>>, vector<16xf32>,
    %get3A_117 = vector.shape_cast %get3A_116 : vector<16xf32> to vector<16xf32>
    %scan3A_118 = arith.constant 0 : i32
    %scan3A_119 = arith.constant 7.812500e-03 : f32
    %scan3A_120 = arith.constant 7.812500e-08 : f32
    %scan3A_121 = arith.constant 0 : i32
    %scan3A_122 = arith.constant 25 : i32
    %scan3A_123 = arith.addi %scan3A_121, %scan3A_122 : i32
    %scan3A_124 = arith.constant 1 : i32
    scf.for %scan3A_179 = %scan3A_121 to %scan3A_123 step %scan3A_124  : i32 {
      %jit3A = arith.constant 3 : i32
      %eq3A = arith.constant 0 : i32
      %eq3A_180 = arith.cmpi eq, %jit3A, %eq3A : i32
      %jit3A_181 = arith.constant 1 : i32
      %select_n3A = arith.select %eq3A_180, %jit3A_181, %jit3A : i32
      %rem3A = arith.remsi %scan3A_179, %select_n3A : i32
      %ne3A = arith.constant 0 : i32
      %ne3A_182 = arith.cmpi ne, %rem3A, %ne3A : i32
      %lt3A = arith.constant 0 : i32
      %lt3A_183 = arith.cmpi slt, %rem3A, %lt3A : i32
      %lt3A_184 = arith.constant 0 : i32
      %lt3A_185 = arith.cmpi slt, %select_n3A, %lt3A_184 : i32
      %ne3A_186 = arith.xori %lt3A_183, %lt3A_185 : i1
      %and3A = arith.andi %ne3A_186, %ne3A_182 : i1
      %add3A_187 = arith.addi %rem3A, %select_n3A : i32
      %select_n3A_188 = arith.select %and3A, %add3A_187, %rem3A : i32
      %add3A_189 = arith.constant 2 : i32
      %add3A_190 = arith.addi %scan3A_179, %add3A_189 : i32
      %lt3A_191 = arith.constant 25 : i32
      %lt3A_192 = arith.cmpi slt, %add3A_190, %lt3A_191 : i32
      %convert_element_type3A = arith.extui %lt3A_192 : i1 to i32
      %cond3A = arith.constant 0 : i32
      %cond3A_193 = arith.cmpi ne, %convert_element_type3A, %cond3A : i32
      scf.if %cond3A_193 {
        %jit3A_229 = arith.constant 3 : i32
        %eq3A_230 = arith.constant 0 : i32
        %eq3A_231 = arith.cmpi eq, %jit3A_229, %eq3A_230 : i32
        %jit3A_232 = arith.constant 1 : i32
        %select_n3A_233 = arith.select %eq3A_231, %jit3A_232, %jit3A_229 : i32
        %rem3A_234 = arith.remsi %add3A_190, %select_n3A_233 : i32
        %ne3A_235 = arith.constant 0 : i32
        %ne3A_236 = arith.cmpi ne, %rem3A_234, %ne3A_235 : i32
        %lt3A_237 = arith.constant 0 : i32
        %lt3A_238 = arith.cmpi slt, %rem3A_234, %lt3A_237 : i32
        %lt3A_239 = arith.constant 0 : i32
        %lt3A_240 = arith.cmpi slt, %select_n3A_233, %lt3A_239 : i32
        %ne3A_241 = arith.xori %lt3A_238, %lt3A_240 : i1
        %and3A_242 = arith.andi %ne3A_241, %ne3A_236 : i1
        %add3A_243 = arith.addi %rem3A_234, %select_n3A_233 : i32
        %select_n3A_244 = arith.select %and3A_242, %add3A_243, %rem3A_234 : i32
        %ge3A = arith.constant 3 : i32
        %ge3A_245 = arith.cmpi sge, %add3A_190, %ge3A : i32
        %convert_element_type3A_246 = arith.extui %ge3A_245 : i1 to i32
        %cond3A_247 = arith.constant 0 : i32
        %cond3A_248 = arith.cmpi ne, %convert_element_type3A_246, %cond3A_247 : i32
        scf.if %cond3A_248 {
          %dma_wait3A_283 = arith.constant 0 : i32
          %dma_wait3A_284 = arith.constant 0 : i32
          %dma_wait3A_285 = tpu.memref_slice %arg9[%select_n3A_244, %dma_wait3A_283, %dma_wait3A_284] : memref<3x256x128xf32, #tpu.memory_space<vmem>> -> memref<1x256x128xf32, #tpu.memory_space<vmem>>
          %dma_wait3A_286 = tpu.memref_squeeze %dma_wait3A_285 : memref<1x256x128xf32, #tpu.memory_space<vmem>> -> memref<256x128xf32, #tpu.memory_space<vmem>>
          %dma_wait3A_287 = arith.constant 0 : i32
          %dma_wait3A_288 = arith.constant 0 : i32
          %dma_wait3A_289 = tpu.memref_slice %arg6[%dma_wait3A_287, %dma_wait3A_288] : memref<204800x128xf32, #tpu.memory_space<hbm>> -> memref<256x128xf32, #tpu.memory_space<hbm>>
          %dma_wait3A_290 = tpu.memref_slice %arg14[%select_n3A_244] : memref<3x!tpu.dma_semaphore, #tpu.memory_space<semaphore_mem>> -> memref<1x!tpu.dma_semaphore, #tpu.memory_space<semaphore_mem>>
          %dma_wait3A_291 = tpu.memref_squeeze %dma_wait3A_290 : memref<1x!tpu.dma_semaphore, #tpu.memory_space<semaphore_mem>> -> memref<!tpu.dma_semaphore, #tpu.memory_space<semaphore_mem>>
          %dma_wait3A_292 = arith.constant 0 : i32
          %dma_wait3A_293 = arith.constant 0 : i32
          %dma_wait3A_294 = tpu.memref_slice %arg6[%dma_wait3A_292, %dma_wait3A_293] : memref<204800x128xf32, #tpu.memory_space<hbm>> -> memref<256x128xf32, #tpu.memory_space<hbm>>
          %dma_wait3A_295 = arith.constant 0 : i32
          %dma_wait3A_296 = arith.constant 0 : i32
          %dma_wait3A_297 = tpu.memref_slice %arg9[%select_n3A_244, %dma_wait3A_295, %dma_wait3A_296] : memref<3x256x128xf32, #tpu.memory_space<vmem>> -> memref<1x256x128xf32, #tpu.memory_space<vmem>>
          %dma_wait3A_298 = tpu.memref_squeeze %dma_wait3A_297 : memref<1x256x128xf32, #tpu.memory_space<vmem>> -> memref<256x128xf32, #tpu.memory_space<vmem>>
          tpu.wait_dma2 semaphore(%dma_wait3A_291 : memref<!tpu.dma_semaphore, #tpu.memory_space<semaphore_mem>>) src(%dma_wait3A_298 : memref<256x128xf32, #tpu.memory_space<vmem>>) dst(%dma_wait3A_294 : memref<256x128xf32, #tpu.memory_space<hbm>>)
        } else {
        }
        %mul3A_249 = arith.constant 256 : i32
        %mul3A_250 = arith.muli %add3A_190, %mul3A_249 : i32
        %add3A_251 = arith.constant 0 : i32
        %add3A_252 = arith.addi %mul3A_250, %add3A_251 : i32
        %dma_start3A_253 = arith.constant 0 : i32
        %dma_start3A_254 = arith.constant 0 : i32
        %dma_start3A_255 = tpu.memref_slice %arg9[%select_n3A_244, %dma_start3A_253, %dma_start3A_254] : memref<3x256x128xf32, #tpu.memory_space<vmem>> -> memref<1x256x128xf32, #tpu.memory_space<vmem>>
        %dma_start3A_256 = tpu.memref_squeeze %dma_start3A_255 : memref<1x256x128xf32, #tpu.memory_space<vmem>> -> memref<256x128xf32, #tpu.memory_space<vmem>>
        %dma_start3A_257 = arith.constant 0 : i32
        %dma_start3A_258 = arith.constant 0 : i32
        %dma_start3A_259 = tpu.memref_slice %dma_start3A_256[%dma_start3A_257, %dma_start3A_258] : memref<256x128xf32, #tpu.memory_space<vmem>> -> memref<128x128xf32, #tpu.memory_space<vmem>>
        %dma_start3A_260 = tpu.memref_slice %arg8[%add3A_252] : memref<6400xi32, #tpu.memory_space<vmem>> -> memref<128xi32, #tpu.memory_space<vmem>>
        %dma_start3A_261 = arith.constant 0 : i32
        %dma_start3A_262 = arith.constant 0 : i32
        %dma_start3A_263 = tpu.memref_slice %arg3[%dma_start3A_261, %dma_start3A_262] : memref<100000x128xf32, #tpu.memory_space<hbm>> -> memref<100000x128xf32, #tpu.memory_space<hbm>>
        %dma_start3A_264 = tpu.memref_slice %arg13[%select_n3A_244] : memref<3x!tpu.dma_semaphore, #tpu.memory_space<semaphore_mem>> -> memref<1x!tpu.dma_semaphore, #tpu.memory_space<semaphore_mem>>
        %dma_start3A_265 = tpu.memref_squeeze %dma_start3A_264 : memref<1x!tpu.dma_semaphore, #tpu.memory_space<semaphore_mem>> -> memref<!tpu.dma_semaphore, #tpu.memory_space<semaphore_mem>>
        tpu.enqueue_indirect_dma source(%dma_start3A_263 : memref<100000x128xf32, #tpu.memory_space<hbm>>) target(%dma_start3A_259 : memref<128x128xf32, #tpu.memory_space<vmem>>) offsets(%dma_start3A_260 : memref<128xi32, #tpu.memory_space<vmem>>) semaphore(%dma_start3A_265 : memref<!tpu.dma_semaphore, #tpu.memory_space<semaphore_mem>>)
        %mul3A_266 = arith.constant 256 : i32
        %mul3A_267 = arith.muli %add3A_190, %mul3A_266 : i32
        %add3A_268 = arith.constant 128 : i32
        %add3A_269 = arith.addi %mul3A_267, %add3A_268 : i32
        %dma_start3A_270 = arith.constant 0 : i32
        %dma_start3A_271 = arith.constant 0 : i32
        %dma_start3A_272 = tpu.memref_slice %arg9[%select_n3A_244, %dma_start3A_270, %dma_start3A_271] : memref<3x256x128xf32, #tpu.memory_space<vmem>> -> memref<1x256x128xf32, #tpu.memory_space<vmem>>
        %dma_start3A_273 = tpu.memref_squeeze %dma_start3A_272 : memref<1x256x128xf32, #tpu.memory_space<vmem>> -> memref<256x128xf32, #tpu.memory_space<vmem>>
        %dma_start3A_274 = arith.constant 128 : i32
        %dma_start3A_275 = arith.constant 0 : i32
        %dma_start3A_276 = tpu.memref_slice %dma_start3A_273[%dma_start3A_274, %dma_start3A_275] : memref<256x128xf32, #tpu.memory_space<vmem>> -> memref<128x128xf32, #tpu.memory_space<vmem>>
        %dma_start3A_277 = tpu.memref_slice %arg8[%add3A_269] : memref<6400xi32, #tpu.memory_space<vmem>> -> memref<128xi32, #tpu.memory_space<vmem>>
        %dma_start3A_278 = arith.constant 0 : i32
        %dma_start3A_279 = arith.constant 0 : i32
        %dma_start3A_280 = tpu.memref_slice %arg3[%dma_start3A_278, %dma_start3A_279] : memref<100000x128xf32, #tpu.memory_space<hbm>> -> memref<100000x128xf32, #tpu.memory_space<hbm>>
        %dma_start3A_281 = tpu.memref_slice %arg13[%select_n3A_244] : memref<3x!tpu.dma_semaphore, #tpu.memory_space<semaphore_mem>> -> memref<1x!tpu.dma_semaphore, #tpu.memory_space<semaphore_mem>>
        %dma_start3A_282 = tpu.memref_squeeze %dma_start3A_281 : memref<1x!tpu.dma_semaphore, #tpu.memory_space<semaphore_mem>> -> memref<!tpu.dma_semaphore, #tpu.memory_space<semaphore_mem>>
        tpu.enqueue_indirect_dma source(%dma_start3A_280 : memref<100000x128xf32, #tpu.memory_space<hbm>>) target(%dma_start3A_276 : memref<128x128xf32, #tpu.memory_space<vmem>>) offsets(%dma_start3A_277 : memref<128xi32, #tpu.memory_space<vmem>>) semaphore(%dma_start3A_282 : memref<!tpu.dma_semaphore, #tpu.memory_space<semaphore_mem>>)
      } else {
      }
      %dma_wait3A_194 = arith.constant 0 : i32
      %dma_wait3A_195 = arith.constant 0 : i32
      %dma_wait3A_196 = tpu.memref_slice %arg9[%select_n3A_188, %dma_wait3A_194, %dma_wait3A_195] : memref<3x256x128xf32, #tpu.memory_space<vmem>> -> memref<1x256x128xf32, #tpu.memory_space<vmem>>
      %dma_wait3A_197 = tpu.memref_squeeze %dma_wait3A_196 : memref<1x256x128xf32, #tpu.memory_space<vmem>> -> memref<256x128xf32, #tpu.memory_space<vmem>>
      %dma_wait3A_198 = arith.constant 0 : i32
      %dma_wait3A_199 = arith.constant 0 : i32
      %dma_wait3A_200 = tpu.memref_slice %arg3[%dma_wait3A_198, %dma_wait3A_199] : memref<100000x128xf32, #tpu.memory_space<hbm>> -> memref<256x128xf32, #tpu.memory_space<hbm>>
      %dma_wait3A_201 = tpu.memref_slice %arg13[%select_n3A_188] : memref<3x!tpu.dma_semaphore, #tpu.memory_space<semaphore_mem>> -> memref<1x!tpu.dma_semaphore, #tpu.memory_space<semaphore_mem>>
      %dma_wait3A_202 = tpu.memref_squeeze %dma_wait3A_201 : memref<1x!tpu.dma_semaphore, #tpu.memory_space<semaphore_mem>> -> memref<!tpu.dma_semaphore, #tpu.memory_space<semaphore_mem>>
      %dma_wait3A_203 = arith.constant 0 : i32
      %dma_wait3A_204 = arith.constant 0 : i32
      %dma_wait3A_205 = tpu.memref_slice %arg9[%select_n3A_188, %dma_wait3A_203, %dma_wait3A_204] : memref<3x256x128xf32, #tpu.memory_space<vmem>> -> memref<1x256x128xf32, #tpu.memory_space<vmem>>
      %dma_wait3A_206 = tpu.memref_squeeze %dma_wait3A_205 : memref<1x256x128xf32, #tpu.memory_space<vmem>> -> memref<256x128xf32, #tpu.memory_space<vmem>>
      %dma_wait3A_207 = arith.constant 0 : i32
      %dma_wait3A_208 = arith.constant 0 : i32
      %dma_wait3A_209 = tpu.memref_slice %arg3[%dma_wait3A_207, %dma_wait3A_208] : memref<100000x128xf32, #tpu.memory_space<hbm>> -> memref<256x128xf32, #tpu.memory_space<hbm>>
      tpu.wait_dma2 semaphore(%dma_wait3A_202 : memref<!tpu.dma_semaphore, #tpu.memory_space<semaphore_mem>>) src(%dma_wait3A_209 : memref<256x128xf32, #tpu.memory_space<hbm>>) dst(%dma_wait3A_206 : memref<256x128xf32, #tpu.memory_space<vmem>>)
      %parallel_loop3A = arith.constant 0 : i32
      %parallel_loop3A_210 = arith.constant 256 : i32
      %parallel_loop3A_211 = arith.constant 1 : i32
      scf.for %parallel_loop3A_229 = %parallel_loop3A to %parallel_loop3A_210 step %parallel_loop3A_211  : i32 {
        %parallel_loop3A_230 = arith.index_cast %select_n3A_188 : i32 to index
        %parallel_loop3A_231 = arith.index_cast %parallel_loop3A_229 : i32 to index
        %parallel_loop3A_232 = arith.constant 0 : index
        %parallel_loop3A_233 = tpu.vector_load %arg9[%parallel_loop3A_230, %parallel_loop3A_231, %parallel_loop3A_232] {strides = array<i32>} : memref<3x256x128xf32, #tpu.memory_space<vmem>>, vector<1x1x16xf32>,
        %parallel_loop3A_234 = vector.shape_cast %parallel_loop3A_233 : vector<1x1x16xf32> to vector<16xf32>
        %parallel_loop3A_235 = arith.index_cast %select_n3A_188 : i32 to index
        %parallel_loop3A_236 = arith.index_cast %parallel_loop3A_229 : i32 to index
        %parallel_loop3A_237 = arith.constant 16 : index
        %parallel_loop3A_238 = tpu.vector_load %arg9[%parallel_loop3A_235, %parallel_loop3A_236, %parallel_loop3A_237] {strides = array<i32>} : memref<3x256x128xf32, #tpu.memory_space<vmem>>, vector<1x1x16xf32>,
        %parallel_loop3A_239 = vector.shape_cast %parallel_loop3A_238 : vector<1x1x16xf32> to vector<16xf32>
        %parallel_loop3A_240 = arith.index_cast %select_n3A_188 : i32 to index
        %parallel_loop3A_241 = arith.index_cast %parallel_loop3A_229 : i32 to index
        %parallel_loop3A_242 = arith.constant 32 : index
        %parallel_loop3A_243 = tpu.vector_load %arg9[%parallel_loop3A_240, %parallel_loop3A_241, %parallel_loop3A_242] {strides = array<i32>} : memref<3x256x128xf32, #tpu.memory_space<vmem>>, vector<1x1x16xf32>,
        %parallel_loop3A_244 = vector.shape_cast %parallel_loop3A_243 : vector<1x1x16xf32> to vector<16xf32>
        %parallel_loop3A_245 = arith.index_cast %select_n3A_188 : i32 to index
        %parallel_loop3A_246 = arith.index_cast %parallel_loop3A_229 : i32 to index
        %parallel_loop3A_247 = arith.constant 48 : index
        %parallel_loop3A_248 = tpu.vector_load %arg9[%parallel_loop3A_245, %parallel_loop3A_246, %parallel_loop3A_247] {strides = array<i32>} : memref<3x256x128xf32, #tpu.memory_space<vmem>>, vector<1x1x16xf32>,
        %parallel_loop3A_249 = vector.shape_cast %parallel_loop3A_248 : vector<1x1x16xf32> to vector<16xf32>
        %parallel_loop3A_250 = arith.index_cast %select_n3A_188 : i32 to index
        %parallel_loop3A_251 = arith.index_cast %parallel_loop3A_229 : i32 to index
        %parallel_loop3A_252 = arith.constant 64 : index
        %parallel_loop3A_253 = tpu.vector_load %arg9[%parallel_loop3A_250, %parallel_loop3A_251, %parallel_loop3A_252] {strides = array<i32>} : memref<3x256x128xf32, #tpu.memory_space<vmem>>, vector<1x1x16xf32>,
        %parallel_loop3A_254 = vector.shape_cast %parallel_loop3A_253 : vector<1x1x16xf32> to vector<16xf32>
        %parallel_loop3A_255 = arith.index_cast %select_n3A_188 : i32 to index
        %parallel_loop3A_256 = arith.index_cast %parallel_loop3A_229 : i32 to index
        %parallel_loop3A_257 = arith.constant 80 : index
        %parallel_loop3A_258 = tpu.vector_load %arg9[%parallel_loop3A_255, %parallel_loop3A_256, %parallel_loop3A_257] {strides = array<i32>} : memref<3x256x128xf32, #tpu.memory_space<vmem>>, vector<1x1x16xf32>,
        %parallel_loop3A_259 = vector.shape_cast %parallel_loop3A_258 : vector<1x1x16xf32> to vector<16xf32>
        %parallel_loop3A_260 = arith.index_cast %select_n3A_188 : i32 to index
        %parallel_loop3A_261 = arith.index_cast %parallel_loop3A_229 : i32 to index
        %parallel_loop3A_262 = arith.constant 96 : index
        %parallel_loop3A_263 = tpu.vector_load %arg9[%parallel_loop3A_260, %parallel_loop3A_261, %parallel_loop3A_262] {strides = array<i32>} : memref<3x256x128xf32, #tpu.memory_space<vmem>>, vector<1x1x16xf32>,
        %parallel_loop3A_264 = vector.shape_cast %parallel_loop3A_263 : vector<1x1x16xf32> to vector<16xf32>
        %parallel_loop3A_265 = arith.index_cast %select_n3A_188 : i32 to index
        %parallel_loop3A_266 = arith.index_cast %parallel_loop3A_229 : i32 to index
        %parallel_loop3A_267 = arith.constant 112 : index
        %parallel_loop3A_268 = tpu.vector_load %arg9[%parallel_loop3A_265, %parallel_loop3A_266, %parallel_loop3A_267] {strides = array<i32>} : memref<3x256x128xf32, #tpu.memory_space<vmem>>, vector<1x1x16xf32>,
        %parallel_loop3A_269 = vector.shape_cast %parallel_loop3A_268 : vector<1x1x16xf32> to vector<16xf32>
        %parallel_loop3A_270 = arith.mulf %parallel_loop3A_234, %parallel_loop3A_234 : vector<16xf32>
        %parallel_loop3A_271 = arith.mulf %parallel_loop3A_239, %parallel_loop3A_239 : vector<16xf32>
        %parallel_loop3A_272 = arith.mulf %parallel_loop3A_244, %parallel_loop3A_244 : vector<16xf32>
        %parallel_loop3A_273 = arith.mulf %parallel_loop3A_249, %parallel_loop3A_249 : vector<16xf32>
        %parallel_loop3A_274 = arith.mulf %parallel_loop3A_254, %parallel_loop3A_254 : vector<16xf32>
        %parallel_loop3A_275 = arith.mulf %parallel_loop3A_259, %parallel_loop3A_259 : vector<16xf32>
        %parallel_loop3A_276 = arith.mulf %parallel_loop3A_264, %parallel_loop3A_264 : vector<16xf32>
        %parallel_loop3A_277 = arith.mulf %parallel_loop3A_269, %parallel_loop3A_269 : vector<16xf32>
        %parallel_loop3A_278 = arith.addf %parallel_loop3A_270, %parallel_loop3A_271 : vector<16xf32>
        %parallel_loop3A_279 = arith.addf %parallel_loop3A_272, %parallel_loop3A_273 : vector<16xf32>
        %parallel_loop3A_280 = arith.addf %parallel_loop3A_274, %parallel_loop3A_275 : vector<16xf32>
        %parallel_loop3A_281 = arith.addf %parallel_loop3A_276, %parallel_loop3A_277 : vector<16xf32>
        %parallel_loop3A_282 = arith.addf %parallel_loop3A_278, %parallel_loop3A_279 : vector<16xf32>
        %parallel_loop3A_283 = arith.addf %parallel_loop3A_280, %parallel_loop3A_281 : vector<16xf32>
        %parallel_loop3A_284 = arith.addf %parallel_loop3A_282, %parallel_loop3A_283 : vector<16xf32>
        %parallel_loop3A_285 = arith.addf %parallel_loop3A_234, %parallel_loop3A_239 : vector<16xf32>
        %parallel_loop3A_286 = arith.addf %parallel_loop3A_244, %parallel_loop3A_249 : vector<16xf32>
        %parallel_loop3A_287 = arith.addf %parallel_loop3A_254, %parallel_loop3A_259 : vector<16xf32>
        %parallel_loop3A_288 = arith.addf %parallel_loop3A_264, %parallel_loop3A_269 : vector<16xf32>
        %parallel_loop3A_289 = arith.addf %parallel_loop3A_285, %parallel_loop3A_286 : vector<16xf32>
        %parallel_loop3A_290 = arith.addf %parallel_loop3A_287, %parallel_loop3A_288 : vector<16xf32>
        %parallel_loop3A_291 = arith.addf %parallel_loop3A_289, %parallel_loop3A_290 : vector<16xf32>
        %parallel_loop3A_292 = tpu.iota {dimensions = array<i32: 0>} : vector<16xi32>
        %parallel_loop3A_293 = arith.constant 8 : i32
        %parallel_loop3A_294 = vector.broadcast %parallel_loop3A_293 : i32 to vector<16xi32>
        %parallel_loop3A_295 = arith.xori %parallel_loop3A_292, %parallel_loop3A_294 : vector<16xi32>
        %parallel_loop3A_296 = vector.shape_cast %parallel_loop3A_295 : vector<16xi32> to vector<16x1xi32>
        %parallel_loop3A_297 = vector.shape_cast %parallel_loop3A_296 : vector<16x1xi32> to vector<16xi32>
        %parallel_loop3A_298 = tpu.dynamic_gather %parallel_loop3A_291[%parallel_loop3A_297] in [0] : vector<16xf32>, vector<16xi32> -> vector<16xf32>
        %parallel_loop3A_299 = arith.addf %parallel_loop3A_291, %parallel_loop3A_298 : vector<16xf32>
        %parallel_loop3A_300 = arith.constant 4 : i32
        %parallel_loop3A_301 = vector.broadcast %parallel_loop3A_300 : i32 to vector<16xi32>
        %parallel_loop3A_302 = arith.xori %parallel_loop3A_292, %parallel_loop3A_301 : vector<16xi32>
        %parallel_loop3A_303 = vector.shape_cast %parallel_loop3A_302 : vector<16xi32> to vector<16x1xi32>
        %parallel_loop3A_304 = vector.shape_cast %parallel_loop3A_303 : vector<16x1xi32> to vector<16xi32>
        %parallel_loop3A_305 = tpu.dynamic_gather %parallel_loop3A_299[%parallel_loop3A_304] in [0] : vector<16xf32>, vector<16xi32> -> vector<16xf32>
        %parallel_loop3A_306 = arith.addf %parallel_loop3A_299, %parallel_loop3A_305 : vector<16xf32>
        %parallel_loop3A_307 = arith.constant 2 : i32
        %parallel_loop3A_308 = vector.broadcast %parallel_loop3A_307 : i32 to vector<16xi32>
        %parallel_loop3A_309 = arith.xori %parallel_loop3A_292, %parallel_loop3A_308 : vector<16xi32>
        %parallel_loop3A_310 = vector.shape_cast %parallel_loop3A_309 : vector<16xi32> to vector<16x1xi32>
        %parallel_loop3A_311 = vector.shape_cast %parallel_loop3A_310 : vector<16x1xi32> to vector<16xi32>
        %parallel_loop3A_312 = tpu.dynamic_gather %parallel_loop3A_306[%parallel_loop3A_311] in [0] : vector<16xf32>, vector<16xi32> -> vector<16xf32>
        %parallel_loop3A_313 = arith.addf %parallel_loop3A_306, %parallel_loop3A_312 : vector<16xf32>
        %parallel_loop3A_314 = arith.constant 1 : i32
        %parallel_loop3A_315 = vector.broadcast %parallel_loop3A_314 : i32 to vector<16xi32>
        %parallel_loop3A_316 = arith.xori %parallel_loop3A_292, %parallel_loop3A_315 : vector<16xi32>
        %parallel_loop3A_317 = vector.shape_cast %parallel_loop3A_316 : vector<16xi32> to vector<16x1xi32>
        %parallel_loop3A_318 = vector.shape_cast %parallel_loop3A_317 : vector<16x1xi32> to vector<16xi32>
        %parallel_loop3A_319 = tpu.dynamic_gather %parallel_loop3A_313[%parallel_loop3A_318] in [0] : vector<16xf32>, vector<16xi32> -> vector<16xf32>
        %parallel_loop3A_320 = arith.addf %parallel_loop3A_313, %parallel_loop3A_319 : vector<16xf32>
        %parallel_loop3A_321 = vector.broadcast %scan3A_119 : f32 to vector<16xf32>
        %parallel_loop3A_322 = arith.mulf %parallel_loop3A_320, %parallel_loop3A_321 : vector<16xf32>
        %parallel_loop3A_323 = tpu.iota {dimensions = array<i32: 0>} : vector<16xi32>
        %parallel_loop3A_324 = arith.constant 8 : i32
        %parallel_loop3A_325 = vector.broadcast %parallel_loop3A_324 : i32 to vector<16xi32>
        %parallel_loop3A_326 = arith.xori %parallel_loop3A_323, %parallel_loop3A_325 : vector<16xi32>
        %parallel_loop3A_327 = vector.shape_cast %parallel_loop3A_326 : vector<16xi32> to vector<16x1xi32>
        %parallel_loop3A_328 = vector.shape_cast %parallel_loop3A_327 : vector<16x1xi32> to vector<16xi32>
        %parallel_loop3A_329 = tpu.dynamic_gather %parallel_loop3A_284[%parallel_loop3A_328] in [0] : vector<16xf32>, vector<16xi32> -> vector<16xf32>
        %parallel_loop3A_330 = arith.addf %parallel_loop3A_284, %parallel_loop3A_329 : vector<16xf32>
        %parallel_loop3A_331 = arith.constant 4 : i32
        %parallel_loop3A_332 = vector.broadcast %parallel_loop3A_331 : i32 to vector<16xi32>
        %parallel_loop3A_333 = arith.xori %parallel_loop3A_323, %parallel_loop3A_332 : vector<16xi32>
        %parallel_loop3A_334 = vector.shape_cast %parallel_loop3A_333 : vector<16xi32> to vector<16x1xi32>
        %parallel_loop3A_335 = vector.shape_cast %parallel_loop3A_334 : vector<16x1xi32> to vector<16xi32>
        %parallel_loop3A_336 = tpu.dynamic_gather %parallel_loop3A_330[%parallel_loop3A_335] in [0] : vector<16xf32>, vector<16xi32> -> vector<16xf32>
        %parallel_loop3A_337 = arith.addf %parallel_loop3A_330, %parallel_loop3A_336 : vector<16xf32>
        %parallel_loop3A_338 = arith.constant 2 : i32
        %parallel_loop3A_339 = vector.broadcast %parallel_loop3A_338 : i32 to vector<16xi32>
        %parallel_loop3A_340 = arith.xori %parallel_loop3A_323, %parallel_loop3A_339 : vector<16xi32>
        %parallel_loop3A_341 = vector.shape_cast %parallel_loop3A_340 : vector<16xi32> to vector<16x1xi32>
        %parallel_loop3A_342 = vector.shape_cast %parallel_loop3A_341 : vector<16x1xi32> to vector<16xi32>
        %parallel_loop3A_343 = tpu.dynamic_gather %parallel_loop3A_337[%parallel_loop3A_342] in [0] : vector<16xf32>, vector<16xi32> -> vector<16xf32>
        %parallel_loop3A_344 = arith.addf %parallel_loop3A_337, %parallel_loop3A_343 : vector<16xf32>
        %parallel_loop3A_345 = arith.constant 1 : i32
        %parallel_loop3A_346 = vector.broadcast %parallel_loop3A_345 : i32 to vector<16xi32>
        %parallel_loop3A_347 = arith.xori %parallel_loop3A_323, %parallel_loop3A_346 : vector<16xi32>
        %parallel_loop3A_348 = vector.shape_cast %parallel_loop3A_347 : vector<16xi32> to vector<16x1xi32>
        %parallel_loop3A_349 = vector.shape_cast %parallel_loop3A_348 : vector<16x1xi32> to vector<16xi32>
        %parallel_loop3A_350 = tpu.dynamic_gather %parallel_loop3A_344[%parallel_loop3A_349] in [0] : vector<16xf32>, vector<16xi32> -> vector<16xf32>
        %parallel_loop3A_351 = arith.addf %parallel_loop3A_344, %parallel_loop3A_350 : vector<16xf32>
        %parallel_loop3A_352 = vector.broadcast %scan3A_119 : f32 to vector<16xf32>
        %parallel_loop3A_353 = arith.mulf %parallel_loop3A_351, %parallel_loop3A_352 : vector<16xf32>
        %parallel_loop3A_354 = arith.mulf %parallel_loop3A_322, %parallel_loop3A_322 : vector<16xf32>
        %parallel_loop3A_355 = arith.subf %parallel_loop3A_353, %parallel_loop3A_354 : vector<16xf32>
        %parallel_loop3A_356 = vector.broadcast %scan3A_120 : f32 to vector<16xf32>
        %parallel_loop3A_357 = arith.addf %parallel_loop3A_355, %parallel_loop3A_356 : vector<16xf32>
        %parallel_loop3A_358 = tpu.bitcast %parallel_loop3A_357 : vector<16xf32> -> vector<16xi32>
        %parallel_loop3A_359 = arith.constant 1 : i32
        %parallel_loop3A_360 = vector.broadcast %parallel_loop3A_359 : i32 to vector<16xi32>
        %parallel_loop3A_361 = arith.shrsi %parallel_loop3A_358, %parallel_loop3A_360 : vector<16xi32>
        %parallel_loop3A_362 = arith.constant 1597463007 : i32
        %parallel_loop3A_363 = vector.broadcast %parallel_loop3A_362 : i32 to vector<16xi32>
        %parallel_loop3A_364 = arith.subi %parallel_loop3A_363, %parallel_loop3A_361 : vector<16xi32>
        %parallel_loop3A_365 = tpu.bitcast %parallel_loop3A_364 : vector<16xi32> -> vector<16xf32>
        %parallel_loop3A_366 = arith.constant 5.000000e-01 : f32
        %parallel_loop3A_367 = vector.broadcast %parallel_loop3A_366 : f32 to vector<16xf32>
        %parallel_loop3A_368 = arith.mulf %parallel_loop3A_367, %parallel_loop3A_357 : vector<16xf32>
        %parallel_loop3A_369 = arith.mulf %parallel_loop3A_368, %parallel_loop3A_365 : vector<16xf32>
        %parallel_loop3A_370 = arith.mulf %parallel_loop3A_369, %parallel_loop3A_365 : vector<16xf32>
        %parallel_loop3A_371 = arith.constant 1.500000e+00 : f32
        %parallel_loop3A_372 = vector.broadcast %parallel_loop3A_371 : f32 to vector<16xf32>
        %parallel_loop3A_373 = arith.subf %parallel_loop3A_372, %parallel_loop3A_370 : vector<16xf32>
        %parallel_loop3A_374 = arith.mulf %parallel_loop3A_365, %parallel_loop3A_373 : vector<16xf32>
        %parallel_loop3A_375 = arith.subf %parallel_loop3A_234, %parallel_loop3A_322 : vector<16xf32>
        %parallel_loop3A_376 = arith.mulf %parallel_loop3A_374, %get3A_72 : vector<16xf32>
        %parallel_loop3A_377 = arith.mulf %parallel_loop3A_375, %parallel_loop3A_376 : vector<16xf32>
        %parallel_loop3A_378 = arith.addf %parallel_loop3A_377, %get3A_96 : vector<16xf32>
        %parallel_loop3A_379 = arith.index_cast %select_n3A_188 : i32 to index
        %parallel_loop3A_380 = arith.index_cast %parallel_loop3A_229 : i32 to index
        %parallel_loop3A_381 = arith.constant 0 : index
        %parallel_loop3A_382 = tpu.vector_load %arg9[%parallel_loop3A_379, %parallel_loop3A_380, %parallel_loop3A_381] {strides = array<i32>} : memref<3x256x128xf32, #tpu.memory_space<vmem>>, vector<1x1x16xf32>,
        %parallel_loop3A_383 = vector.shape_cast %parallel_loop3A_382 : vector<1x1x16xf32> to vector<16xf32>
        %parallel_loop3A_384 = vector.shape_cast %parallel_loop3A_378 : vector<16xf32> to vector<1x1x16xf32>
        tpu.vector_store %arg9[%parallel_loop3A_379, %parallel_loop3A_380, %parallel_loop3A_381], %parallel_loop3A_384 {strides = array<i32>} : memref<3x256x128xf32, #tpu.memory_space<vmem>>, vector<1x1x16xf32>,
        %parallel_loop3A_385 = arith.subf %parallel_loop3A_239, %parallel_loop3A_322 : vector<16xf32>
        %parallel_loop3A_386 = arith.mulf %parallel_loop3A_374, %get3A_75 : vector<16xf32>
        %parallel_loop3A_387 = arith.mulf %parallel_loop3A_385, %parallel_loop3A_386 : vector<16xf32>
        %parallel_loop3A_388 = arith.addf %parallel_loop3A_387, %get3A_99 : vector<16xf32>
        %parallel_loop3A_389 = arith.index_cast %select_n3A_188 : i32 to index
        %parallel_loop3A_390 = arith.index_cast %parallel_loop3A_229 : i32 to index
        %parallel_loop3A_391 = arith.constant 16 : index
        %parallel_loop3A_392 = tpu.vector_load %arg9[%parallel_loop3A_389, %parallel_loop3A_390, %parallel_loop3A_391] {strides = array<i32>} : memref<3x256x128xf32, #tpu.memory_space<vmem>>, vector<1x1x16xf32>,
        %parallel_loop3A_393 = vector.shape_cast %parallel_loop3A_392 : vector<1x1x16xf32> to vector<16xf32>
        %parallel_loop3A_394 = vector.shape_cast %parallel_loop3A_388 : vector<16xf32> to vector<1x1x16xf32>
        tpu.vector_store %arg9[%parallel_loop3A_389, %parallel_loop3A_390, %parallel_loop3A_391], %parallel_loop3A_394 {strides = array<i32>} : memref<3x256x128xf32, #tpu.memory_space<vmem>>, vector<1x1x16xf32>,
        %parallel_loop3A_395 = arith.subf %parallel_loop3A_244, %parallel_loop3A_322 : vector<16xf32>
        %parallel_loop3A_396 = arith.mulf %parallel_loop3A_374, %get3A_78 : vector<16xf32>
        %parallel_loop3A_397 = arith.mulf %parallel_loop3A_395, %parallel_loop3A_396 : vector<16xf32>
        %parallel_loop3A_398 = arith.addf %parallel_loop3A_397, %get3A_102 : vector<16xf32>
        %parallel_loop3A_399 = arith.index_cast %select_n3A_188 : i32 to index
        %parallel_loop3A_400 = arith.index_cast %parallel_loop3A_229 : i32 to index
        %parallel_loop3A_401 = arith.constant 32 : index
        %parallel_loop3A_402 = tpu.vector_load %arg9[%parallel_loop3A_399, %parallel_loop3A_400, %parallel_loop3A_401] {strides = array<i32>} : memref<3x256x128xf32, #tpu.memory_space<vmem>>, vector<1x1x16xf32>,
        %parallel_loop3A_403 = vector.shape_cast %parallel_loop3A_402 : vector<1x1x16xf32> to vector<16xf32>
        %parallel_loop3A_404 = vector.shape_cast %parallel_loop3A_398 : vector<16xf32> to vector<1x1x16xf32>
        tpu.vector_store %arg9[%parallel_loop3A_399, %parallel_loop3A_400, %parallel_loop3A_401], %parallel_loop3A_404 {strides = array<i32>} : memref<3x256x128xf32, #tpu.memory_space<vmem>>, vector<1x1x16xf32>,
        %parallel_loop3A_405 = arith.subf %parallel_loop3A_249, %parallel_loop3A_322 : vector<16xf32>
        %parallel_loop3A_406 = arith.mulf %parallel_loop3A_374, %get3A_81 : vector<16xf32>
        %parallel_loop3A_407 = arith.mulf %parallel_loop3A_405, %parallel_loop3A_406 : vector<16xf32>
        %parallel_loop3A_408 = arith.addf %parallel_loop3A_407, %get3A_105 : vector<16xf32>
        %parallel_loop3A_409 = arith.index_cast %select_n3A_188 : i32 to index
        %parallel_loop3A_410 = arith.index_cast %parallel_loop3A_229 : i32 to index
        %parallel_loop3A_411 = arith.constant 48 : index
        %parallel_loop3A_412 = tpu.vector_load %arg9[%parallel_loop3A_409, %parallel_loop3A_410, %parallel_loop3A_411] {strides = array<i32>} : memref<3x256x128xf32, #tpu.memory_space<vmem>>, vector<1x1x16xf32>,
        %parallel_loop3A_413 = vector.shape_cast %parallel_loop3A_412 : vector<1x1x16xf32> to vector<16xf32>
        %parallel_loop3A_414 = vector.shape_cast %parallel_loop3A_408 : vector<16xf32> to vector<1x1x16xf32>
        tpu.vector_store %arg9[%parallel_loop3A_409, %parallel_loop3A_410, %parallel_loop3A_411], %parallel_loop3A_414 {strides = array<i32>} : memref<3x256x128xf32, #tpu.memory_space<vmem>>, vector<1x1x16xf32>,
        %parallel_loop3A_415 = arith.subf %parallel_loop3A_254, %parallel_loop3A_322 : vector<16xf32>
        %parallel_loop3A_416 = arith.mulf %parallel_loop3A_374, %get3A_84 : vector<16xf32>
        %parallel_loop3A_417 = arith.mulf %parallel_loop3A_415, %parallel_loop3A_416 : vector<16xf32>
        %parallel_loop3A_418 = arith.addf %parallel_loop3A_417, %get3A_108 : vector<16xf32>
        %parallel_loop3A_419 = arith.index_cast %select_n3A_188 : i32 to index
        %parallel_loop3A_420 = arith.index_cast %parallel_loop3A_229 : i32 to index
        %parallel_loop3A_421 = arith.constant 64 : index
        %parallel_loop3A_422 = tpu.vector_load %arg9[%parallel_loop3A_419, %parallel_loop3A_420, %parallel_loop3A_421] {strides = array<i32>} : memref<3x256x128xf32, #tpu.memory_space<vmem>>, vector<1x1x16xf32>,
        %parallel_loop3A_423 = vector.shape_cast %parallel_loop3A_422 : vector<1x1x16xf32> to vector<16xf32>
        %parallel_loop3A_424 = vector.shape_cast %parallel_loop3A_418 : vector<16xf32> to vector<1x1x16xf32>
        tpu.vector_store %arg9[%parallel_loop3A_419, %parallel_loop3A_420, %parallel_loop3A_421], %parallel_loop3A_424 {strides = array<i32>} : memref<3x256x128xf32, #tpu.memory_space<vmem>>, vector<1x1x16xf32>,
        %parallel_loop3A_425 = arith.subf %parallel_loop3A_259, %parallel_loop3A_322 : vector<16xf32>
        %parallel_loop3A_426 = arith.mulf %parallel_loop3A_374, %get3A_87 : vector<16xf32>
        %parallel_loop3A_427 = arith.mulf %parallel_loop3A_425, %parallel_loop3A_426 : vector<16xf32>
        %parallel_loop3A_428 = arith.addf %parallel_loop3A_427, %get3A_111 : vector<16xf32>
        %parallel_loop3A_429 = arith.index_cast %select_n3A_188 : i32 to index
        %parallel_loop3A_430 = arith.index_cast %parallel_loop3A_229 : i32 to index
        %parallel_loop3A_431 = arith.constant 80 : index
        %parallel_loop3A_432 = tpu.vector_load %arg9[%parallel_loop3A_429, %parallel_loop3A_430, %parallel_loop3A_431] {strides = array<i32>} : memref<3x256x128xf32, #tpu.memory_space<vmem>>, vector<1x1x16xf32>,
        %parallel_loop3A_433 = vector.shape_cast %parallel_loop3A_432 : vector<1x1x16xf32> to vector<16xf32>
        %parallel_loop3A_434 = vector.shape_cast %parallel_loop3A_428 : vector<16xf32> to vector<1x1x16xf32>
        tpu.vector_store %arg9[%parallel_loop3A_429, %parallel_loop3A_430, %parallel_loop3A_431], %parallel_loop3A_434 {strides = array<i32>} : memref<3x256x128xf32, #tpu.memory_space<vmem>>, vector<1x1x16xf32>,
        %parallel_loop3A_435 = arith.subf %parallel_loop3A_264, %parallel_loop3A_322 : vector<16xf32>
        %parallel_loop3A_436 = arith.mulf %parallel_loop3A_374, %get3A_90 : vector<16xf32>
        %parallel_loop3A_437 = arith.mulf %parallel_loop3A_435, %parallel_loop3A_436 : vector<16xf32>
        %parallel_loop3A_438 = arith.addf %parallel_loop3A_437, %get3A_114 : vector<16xf32>
        %parallel_loop3A_439 = arith.index_cast %select_n3A_188 : i32 to index
        %parallel_loop3A_440 = arith.index_cast %parallel_loop3A_229 : i32 to index
        %parallel_loop3A_441 = arith.constant 96 : index
        %parallel_loop3A_442 = tpu.vector_load %arg9[%parallel_loop3A_439, %parallel_loop3A_440, %parallel_loop3A_441] {strides = array<i32>} : memref<3x256x128xf32, #tpu.memory_space<vmem>>, vector<1x1x16xf32>,
        %parallel_loop3A_443 = vector.shape_cast %parallel_loop3A_442 : vector<1x1x16xf32> to vector<16xf32>
        %parallel_loop3A_444 = vector.shape_cast %parallel_loop3A_438 : vector<16xf32> to vector<1x1x16xf32>
        tpu.vector_store %arg9[%parallel_loop3A_439, %parallel_loop3A_440, %parallel_loop3A_441], %parallel_loop3A_444 {strides = array<i32>} : memref<3x256x128xf32, #tpu.memory_space<vmem>>, vector<1x1x16xf32>,
        %parallel_loop3A_445 = arith.subf %parallel_loop3A_269, %parallel_loop3A_322 : vector<16xf32>
        %parallel_loop3A_446 = arith.mulf %parallel_loop3A_374, %get3A_93 : vector<16xf32>
        %parallel_loop3A_447 = arith.mulf %parallel_loop3A_445, %parallel_loop3A_446 : vector<16xf32>
        %parallel_loop3A_448 = arith.addf %parallel_loop3A_447, %get3A_117 : vector<16xf32>
        %parallel_loop3A_449 = arith.index_cast %select_n3A_188 : i32 to index
        %parallel_loop3A_450 = arith.index_cast %parallel_loop3A_229 : i32 to index
        %parallel_loop3A_451 = arith.constant 112 : index
        %parallel_loop3A_452 = tpu.vector_load %arg9[%parallel_loop3A_449, %parallel_loop3A_450, %parallel_loop3A_451] {strides = array<i32>} : memref<3x256x128xf32, #tpu.memory_space<vmem>>, vector<1x1x16xf32>,
        %parallel_loop3A_453 = vector.shape_cast %parallel_loop3A_452 : vector<1x1x16xf32> to vector<16xf32>
        %parallel_loop3A_454 = vector.shape_cast %parallel_loop3A_448 : vector<16xf32> to vector<1x1x16xf32>
        tpu.vector_store %arg9[%parallel_loop3A_449, %parallel_loop3A_450, %parallel_loop3A_451], %parallel_loop3A_454 {strides = array<i32>} : memref<3x256x128xf32, #tpu.memory_space<vmem>>, vector<1x1x16xf32>,
      } {sc.loop_unroll_factor = 4 : i64, sc.parallel_access}
      %mul3A_212 = arith.constant 256 : i32
      %mul3A_213 = arith.muli %scan3A_179, %mul3A_212 : i32
      %add3A_214 = arith.addi %mul3A_2, %mul3A_213 : i32
      %dma_start3A_215 = arith.constant 0 : i32
      %dma_start3A_216 = arith.constant 0 : i32
      %dma_start3A_217 = tpu.memref_slice %arg9[%select_n3A_188, %dma_start3A_215, %dma_start3A_216] : memref<3x256x128xf32, #tpu.memory_space<vmem>> -> memref<1x256x128xf32, #tpu.memory_space<vmem>>
      %dma_start3A_218 = tpu.memref_squeeze %dma_start3A_217 : memref<1x256x128xf32, #tpu.memory_space<vmem>> -> memref<256x128xf32, #tpu.memory_space<vmem>>
      %dma_start3A_219 = arith.constant 0 : i32
      %dma_start3A_220 = tpu.memref_slice %arg6[%add3A_214, %dma_start3A_219] : memref<204800x128xf32, #tpu.memory_space<hbm>> -> memref<256x128xf32, #tpu.memory_space<hbm>>
      %dma_start3A_221 = tpu.memref_slice %arg14[%select_n3A_188] : memref<3x!tpu.dma_semaphore, #tpu.memory_space<semaphore_mem>> -> memref<1x!tpu.dma_semaphore, #tpu.memory_space<semaphore_mem>>
      %dma_start3A_222 = tpu.memref_squeeze %dma_start3A_221 : memref<1x!tpu.dma_semaphore, #tpu.memory_space<semaphore_mem>> -> memref<!tpu.dma_semaphore, #tpu.memory_space<semaphore_mem>>
      %dma_start3A_223 = arith.constant 0 : i32
      %dma_start3A_224 = tpu.memref_slice %arg6[%add3A_214, %dma_start3A_223] : memref<204800x128xf32, #tpu.memory_space<hbm>> -> memref<256x128xf32, #tpu.memory_space<hbm>>
      %dma_start3A_225 = arith.constant 0 : i32
      %dma_start3A_226 = arith.constant 0 : i32
      %dma_start3A_227 = tpu.memref_slice %arg9[%select_n3A_188, %dma_start3A_225, %dma_start3A_226] : memref<3x256x128xf32, #tpu.memory_space<vmem>> -> memref<1x256x128xf32, #tpu.memory_space<vmem>>
      %dma_start3A_228 = tpu.memref_squeeze %dma_start3A_227 : memref<1x256x128xf32, #tpu.memory_space<vmem>> -> memref<256x128xf32, #tpu.memory_space<vmem>>
      tpu.enqueue_dma source(%dma_start3A_228 : memref<256x128xf32, #tpu.memory_space<vmem>>) target(%dma_start3A_224 : memref<256x128xf32, #tpu.memory_space<hbm>>) target_semaphore(%dma_start3A_222 : memref<!tpu.dma_semaphore, #tpu.memory_space<semaphore_mem>>)
    }
    %scan3A_125 = arith.constant 25 : i32
    %dma_wait3A = arith.constant 0 : i32
    %dma_wait3A_126 = arith.constant 0 : i32
    %dma_wait3A_127 = arith.constant 0 : i32
    %dma_wait3A_128 = arith.constant 0 : i32
    %dma_wait3A_129 = tpu.memref_slice %arg9[%dma_wait3A, %dma_wait3A_127, %dma_wait3A_128] : memref<3x256x128xf32, #tpu.memory_space<vmem>> -> memref<1x256x128xf32, #tpu.memory_space<vmem>>
    %dma_wait3A_130 = tpu.memref_squeeze %dma_wait3A_129 : memref<1x256x128xf32, #tpu.memory_space<vmem>> -> memref<256x128xf32, #tpu.memory_space<vmem>>
    %dma_wait3A_131 = arith.constant 0 : i32
    %dma_wait3A_132 = arith.constant 0 : i32
    %dma_wait3A_133 = tpu.memref_slice %arg6[%dma_wait3A_131, %dma_wait3A_132] : memref<204800x128xf32, #tpu.memory_space<hbm>> -> memref<256x128xf32, #tpu.memory_space<hbm>>
    %dma_wait3A_134 = tpu.memref_slice %arg14[%dma_wait3A_126] : memref<3x!tpu.dma_semaphore, #tpu.memory_space<semaphore_mem>> -> memref<1x!tpu.dma_semaphore, #tpu.memory_space<semaphore_mem>>
    %dma_wait3A_135 = tpu.memref_squeeze %dma_wait3A_134 : memref<1x!tpu.dma_semaphore, #tpu.memory_space<semaphore_mem>> -> memref<!tpu.dma_semaphore, #tpu.memory_space<semaphore_mem>>
    %dma_wait3A_136 = arith.constant 0 : i32
    %dma_wait3A_137 = arith.constant 0 : i32
    %dma_wait3A_138 = tpu.memref_slice %arg6[%dma_wait3A_136, %dma_wait3A_137] : memref<204800x128xf32, #tpu.memory_space<hbm>> -> memref<256x128xf32, #tpu.memory_space<hbm>>
    %dma_wait3A_139 = arith.constant 0 : i32
    %dma_wait3A_140 = arith.constant 0 : i32
    %dma_wait3A_141 = tpu.memref_slice %arg9[%dma_wait3A, %dma_wait3A_139, %dma_wait3A_140] : memref<3x256x128xf32, #tpu.memory_space<vmem>> -> memref<1x256x128xf32, #tpu.memory_space<vmem>>
    %dma_wait3A_142 = tpu.memref_squeeze %dma_wait3A_141 : memref<1x256x128xf32, #tpu.memory_space<vmem>> -> memref<256x128xf32, #tpu.memory_space<vmem>>
    tpu.wait_dma2 semaphore(%dma_wait3A_135 : memref<!tpu.dma_semaphore, #tpu.memory_space<semaphore_mem>>) src(%dma_wait3A_142 : memref<256x128xf32, #tpu.memory_space<vmem>>) dst(%dma_wait3A_138 : memref<256x128xf32, #tpu.memory_space<hbm>>)
    %dma_wait3A_143 = arith.constant 1 : i32
    %dma_wait3A_144 = arith.constant 1 : i32
    %dma_wait3A_145 = arith.constant 0 : i32
    %dma_wait3A_146 = arith.constant 0 : i32
    %dma_wait3A_147 = tpu.memref_slice %arg9[%dma_wait3A_143, %dma_wait3A_145, %dma_wait3A_146] : memref<3x256x128xf32, #tpu.memory_space<vmem>> -> memref<1x256x128xf32, #tpu.memory_space<vmem>>
    %dma_wait3A_148 = tpu.memref_squeeze %dma_wait3A_147 : memref<1x256x128xf32, #tpu.memory_space<vmem>> -> memref<256x128xf32, #tpu.memory_space<vmem>>
    %dma_wait3A_149 = arith.constant 0 : i32
    %dma_wait3A_150 = arith.constant 0 : i32
    %dma_wait3A_151 = tpu.memref_slice %arg6[%dma_wait3A_149, %dma_wait3A_150] : memref<204800x128xf32, #tpu.memory_space<hbm>> -> memref<256x128xf32, #tpu.memory_space<hbm>>
    %dma_wait3A_152 = tpu.memref_slice %arg14[%dma_wait3A_144] : memref<3x!tpu.dma_semaphore, #tpu.memory_space<semaphore_mem>> -> memref<1x!tpu.dma_semaphore, #tpu.memory_space<semaphore_mem>>
    %dma_wait3A_153 = tpu.memref_squeeze %dma_wait3A_152 : memref<1x!tpu.dma_semaphore, #tpu.memory_space<semaphore_mem>> -> memref<!tpu.dma_semaphore, #tpu.memory_space<semaphore_mem>>
    %dma_wait3A_154 = arith.constant 0 : i32
    %dma_wait3A_155 = arith.constant 0 : i32
    %dma_wait3A_156 = tpu.memref_slice %arg6[%dma_wait3A_154, %dma_wait3A_155] : memref<204800x128xf32, #tpu.memory_space<hbm>> -> memref<256x128xf32, #tpu.memory_space<hbm>>
    %dma_wait3A_157 = arith.constant 0 : i32
    %dma_wait3A_158 = arith.constant 0 : i32
    %dma_wait3A_159 = tpu.memref_slice %arg9[%dma_wait3A_143, %dma_wait3A_157, %dma_wait3A_158] : memref<3x256x128xf32, #tpu.memory_space<vmem>> -> memref<1x256x128xf32, #tpu.memory_space<vmem>>
    %dma_wait3A_160 = tpu.memref_squeeze %dma_wait3A_159 : memref<1x256x128xf32, #tpu.memory_space<vmem>> -> memref<256x128xf32, #tpu.memory_space<vmem>>
    tpu.wait_dma2 semaphore(%dma_wait3A_153 : memref<!tpu.dma_semaphore, #tpu.memory_space<semaphore_mem>>) src(%dma_wait3A_160 : memref<256x128xf32, #tpu.memory_space<vmem>>) dst(%dma_wait3A_156 : memref<256x128xf32, #tpu.memory_space<hbm>>)
    %dma_wait3A_161 = arith.constant 2 : i32
    %dma_wait3A_162 = arith.constant 2 : i32
    %dma_wait3A_163 = arith.constant 0 : i32
    %dma_wait3A_164 = arith.constant 0 : i32
    %dma_wait3A_165 = tpu.memref_slice %arg9[%dma_wait3A_161, %dma_wait3A_163, %dma_wait3A_164] : memref<3x256x128xf32, #tpu.memory_space<vmem>> -> memref<1x256x128xf32, #tpu.memory_space<vmem>>
    %dma_wait3A_166 = tpu.memref_squeeze %dma_wait3A_165 : memref<1x256x128xf32, #tpu.memory_space<vmem>> -> memref<256x128xf32, #tpu.memory_space<vmem>>
    %dma_wait3A_167 = arith.constant 0 : i32
    %dma_wait3A_168 = arith.constant 0 : i32
    %dma_wait3A_169 = tpu.memref_slice %arg6[%dma_wait3A_167, %dma_wait3A_168] : memref<204800x128xf32, #tpu.memory_space<hbm>> -> memref<256x128xf32, #tpu.memory_space<hbm>>
    %dma_wait3A_170 = tpu.memref_slice %arg14[%dma_wait3A_162] : memref<3x!tpu.dma_semaphore, #tpu.memory_space<semaphore_mem>> -> memref<1x!tpu.dma_semaphore, #tpu.memory_space<semaphore_mem>>
    %dma_wait3A_171 = tpu.memref_squeeze %dma_wait3A_170 : memref<1x!tpu.dma_semaphore, #tpu.memory_space<semaphore_mem>> -> memref<!tpu.dma_semaphore, #tpu.memory_space<semaphore_mem>>
    %dma_wait3A_172 = arith.constant 0 : i32
    %dma_wait3A_173 = arith.constant 0 : i32
    %dma_wait3A_174 = tpu.memref_slice %arg6[%dma_wait3A_172, %dma_wait3A_173] : memref<204800x128xf32, #tpu.memory_space<hbm>> -> memref<256x128xf32, #tpu.memory_space<hbm>>
    %dma_wait3A_175 = arith.constant 0 : i32
    %dma_wait3A_176 = arith.constant 0 : i32
    %dma_wait3A_177 = tpu.memref_slice %arg9[%dma_wait3A_161, %dma_wait3A_175, %dma_wait3A_176] : memref<3x256x128xf32, #tpu.memory_space<vmem>> -> memref<1x256x128xf32, #tpu.memory_space<vmem>>
    %dma_wait3A_178 = tpu.memref_squeeze %dma_wait3A_177 : memref<1x256x128xf32, #tpu.memory_space<vmem>> -> memref<256x128xf32, #tpu.memory_space<vmem>>
    tpu.wait_dma2 semaphore(%dma_wait3A_171 : memref<!tpu.dma_semaphore, #tpu.memory_space<semaphore_mem>>) src(%dma_wait3A_178 : memref<256x128xf32, #tpu.memory_space<vmem>>) dst(%dma_wait3A_174 : memref<256x128xf32, #tpu.memory_space<hbm>>)
    return
  }
}

</mosaic_0001>

<sc_bundles>
// kernel: kernel.3.cloned.1.call-start
scs
__scs_entry_jumppad:
0x0: {  	(pc) =	sbr.rel $0x88, $3  }
0x1: {  	(tag) =	ssettag $0x0;
	lr =	simm.s32 $0x1  }
0x2: {  	[smem:$0x3F9D] =	sst lr;
	_ =	strace $0xD0000000  }
0x3: {  	_ = 	snop  }
0x4: {  	_ = 	snop  }
0x5: {  	_ = 	snop  }
0x6: {  	_ = 	snop  }
0x7: {  	_ = 	snop  }
__scs_overlays_trampoline_lowered:
0x8: {  	[smem:$0x3FAC] =	sst s0  }
0x9: {  	[smem:$0x3FAD] =	sst s1  }
0xa: {  	[smem:$0x3FAE] =	sst s2  }
0xb: {  	[smem:$0x3FAF] =	sst s3  }
0xc: {  	[smem:$0x3FB0] =	sst s4  }
0xd: {  	[smem:$0x3FB1] =	sst s5  }
0xe: {  	[smem:$0x3FB2] =	sst s6  }
0xf: {  	[smem:$0x3FB3] =	sst s7  }
0x10: {  	[smem:$0x3FB4] =	sst s8  }
0x11: {  	[smem:$0x3FB5] =	sst s9;
	s0 =	simm.s32 @!p0 $0x0  }
0x12: {  	s1 =	sld [smem:$0x3F9B];
	s0 =	simm.s32 @p0 $0x1  }
0x13: {  	[smem:$0x3FB6] =	sst s0;
	s0 =	simm.s32 @!p1 $0x0  }
0x14: {  	s2 =	sld [smem:$0x3F9A];
	s0 =	simm.s32 @p1 $0x1  }
0x15: {  	[smem:$0x3FB7] =	sst s0;
	s0 =	simm.s32 @!p2 $0x0  }
0x16: {  	s3 =	sld [smem:$0x3FDB];
	s0 =	simm.s32 @p2 $0x1  }
0x17: {  	s4 =	simm.s32 $0x1BF5;
	[smem:$0x3FB9] =	sst s0  }
0x18: {  	s0 =	sld [smem:$0x3F9C];
	_ =	swait.ge [sflag:s4], $0x0  }
0x19: {  	s7 =	sld [smem:$0x3F9D]  }
0x1a: {  	s8 =	sadd.s32 $0xFFFFE003, lr  }
0x1b: {  	s9 =	sadd.s32 $0xFFFFFEF7, lr;
	s5 =	simm.s32 $0xFFFFFFFF;
	p2 =	slt.u32 s8, $0xFFFFF086  }
0x1c: {  	p1 =	slt.u32 s9, $0xF7A;
	s5 =	simm.s32 @!p2 $0x0  }
0x1d: {  	s5 =	simm.s32 @p1 $0x1;
	p0 =	seq.s32 s7, s2  }
0x1e: {  	s7 =	smul.u32 @!p0 $0xF7A, s2;
	p2 =	seq.s32 @!p0 s5, $0x0  }
0x1f: {  	s9 =	smul.u32 $0xF7A, s1;
	s8 =	simm.s32 @!p0 $0x1BF5;
	p2 =	por !p2, p0  }
0x20: {  	[sflag:s8] =	ssyncset.s32 @!p0 $0xFFFFF086;
	s6 =	sadd.s32 @!p0 s3, s7;
	s7 =	simm.s32 @!p0 $0x108  }
0x21: {  	s3 =	sadd.s32 s3, s9;
	s6 =	sadd.s32 @!p0 $0x88, s6;
	s7 =	simm.s32 @p2 $0x1082  }
0x22: {  	[simem:s7], [sflag:s8] =	dma.local @!p0 [hbm:s6], $0xF7A  }
0x23: {  	s9 =	sor.u32 $0xD0000000, s2;
	s6 =	simm.s32 $0x108;
	_ =	swait.ge @!p0 [sflag:s8], $0x0  }
0x24: {  	s3 =	sadd.s32 $0x88, s3;
	s6 =	simm.s32 @!p1 $0x1082;
	[sflag:s4] =	ssyncset.s32 $0xFFFFF086  }
0x25: {  	[simem:s6], [sflag:s4] =	dma.local [hbm:s3], $0xF7A  }
0x26: {  	[smem:$0x3F9D] =	sst s1;
	(tag) =	ssettag s2;
	_ =	strace s9  }
0x27: {  	s1 =	sld [smem:$0x3FAD]  }
0x28: {  	s2 =	sld [smem:$0x3FAE]  }
0x29: {  	s4 =	sld [smem:$0x3FB0]  }
0x2a: {  	p0 =	seq.s32 s5, $0x0;
	s5 =	sld [smem:$0x3FB1]  }
0x2b: {  	s6 =	sld [smem:$0x3FB2]  }
0x2c: {  	s7 =	sld [smem:$0x3FB3]  }
0x2d: {  	s3 =	simm.s32 $0x108;
	s8 =	sld [smem:$0x3FB4]  }
0x2e: {  	s3 =	simm.s32 @!p0 $0x1082;
	s9 =	sld [smem:$0x3FB5]  }
0x2f: {  	lr =	sadd.s32 s0, s3;
	s0 =	sld [smem:$0x3FAC]  }
0x30: {  	s3 =	sld [smem:$0x3FAF]  }
0x31: {  	[smem:$0x3FB8] =	sst s10  }
0x32: {  	s10 =	sld [smem:$0x3FB6];
	_ =	sdelay $0x3  }
0x33: {  	p0 =	seq.s32 s10, $0x1;
	s10 =	sld [smem:$0x3FB8];
	_ =	sdelay $0x3  }
0x34: {  	[smem:$0x3FB8] =	sst s10  }
0x35: {  	s10 =	sld [smem:$0x3FB7];
	_ =	sdelay $0x3  }
0x36: {  	p1 =	seq.s32 s10, $0x1;
	s10 =	sld [smem:$0x3FB8];
	_ =	sdelay $0x3  }
0x37: {  	[smem:$0x3FB8] =	sst s10  }
0x38: {  	s10 =	sld [smem:$0x3FB9]  }
0x39: {  	_ = 	snop;
	(pc) =	sbr.ind lr, $3  }
0x3a: {  	_ = 	snop  }
0x3b: {  	_ = 	snop  }
0x3c: {  	p2 =	seq.s32 s10, $0x1;
	s10 =	sld [smem:$0x3FB8]  }
0x3d: {  	_ =	shalt  }
0x3e: {  	_ =	shalt  }
0x3f: {  	_ =	shalt  }
0x40: {  	_ =	shalt  }
0x41: {  	_ =	shalt  }
0x42: {  	_ =	shalt  }
0x43: {  	_ =	shalt  }
0x44: {  	_ =	shalt  }
0x45: {  	_ =	shalt  }
0x46: {  	_ =	shalt  }
0x47: {  	_ =	shalt  }
0x48: {  	_ =	shalt  }
0x49: {  	_ =	shalt  }
0x4a: {  	_ =	shalt  }
0x4b: {  	_ =	shalt  }
0x4c: {  	_ =	shalt  }
0x4d: {  	_ =	shalt  }
0x4e: {  	_ =	shalt  }
0x4f: {  	_ =	shalt  }
0x50: {  	_ =	shalt  }
0x51: {  	_ =	shalt  }
0x52: {  	_ =	shalt  }
0x53: {  	_ =	shalt  }
0x54: {  	_ =	shalt  }
0x55: {  	_ =	shalt  }
0x56: {  	_ =	shalt  }
0x57: {  	_ =	shalt  }
0x58: {  	_ =	shalt  }
0x59: {  	_ =	shalt  }
0x5a: {  	_ =	shalt  }
0x5b: {  	_ =	shalt  }
0x5c: {  	_ =	shalt  }
0x5d: {  	_ =	shalt  }
0x5e: {  	_ =	shalt  }
0x5f: {  	_ =	shalt  }
0x60: {  	_ =	shalt  }
0x61: {  	_ =	shalt  }
0x62: {  	_ =	shalt  }
0x63: {  	_ =	shalt  }
0x64: {  	_ =	shalt  }
0x65: {  	_ =	shalt  }
0x66: {  	_ =	shalt  }
0x67: {  	_ =	shalt  }
0x68: {  	_ =	shalt  }
0x69: {  	_ =	shalt  }
0x6a: {  	_ =	shalt  }
0x6b: {  	_ =	shalt  }
0x6c: {  	_ =	shalt  }
0x6d: {  	_ =	shalt  }
0x6e: {  	_ =	shalt  }
0x6f: {  	_ =	shalt  }
0x70: {  	_ =	shalt  }
0x71: {  	_ =	shalt  }
0x72: {  	_ =	shalt  }
0x73: {  	_ =	shalt  }
0x74: {  	_ =	shalt  }
0x75: {  	_ =	shalt  }
0x76: {  	_ =	shalt  }
0x77: {  	_ =	shalt  }
0x78: {  	_ =	shalt  }
0x79: {  	_ =	shalt  }
0x7a: {  	_ =	shalt  }
0x7b: {  	_ =	shalt  }
0x7c: {  	_ =	shalt  }
0x7d: {  	_ =	shalt  }
0x7e: {  	_ =	shalt  }
0x7f: {  	_ =	shalt  }
0x80: {  	_ =	shalt  }
0x81: {  	_ =	shalt  }
0x82: {  	_ =	shalt  }
0x83: {  	_ =	shalt  }
0x84: {  	_ =	shalt  }
0x85: {  	_ =	shalt  }
0x86: {  	_ =	shalt  }
0x87: {  	_ =	shalt  }
.Lfunc_end0:
.L_simem_size_0:
called_computation_lowered:
.L_overlay_start_0:
0x88: {  	s2 =	sld [smem:$0x3FD9]  }
0x89: {  	s3 =	sld [smem:$0x3FFE];
	_ =	sdelay $0x1  }
0x8a: {  	s1 =	srdreg.scid  }
0x8b: {  	s0 =	sand.u32 $0x1, s1  }
0x8c: {  	s14 =	sshll.u32 s0, $0xA;
	s2 =	sadd.s32 s3, s2  }
0x8d: {  	s2 =	sadd.s32 s2, s14  }
0x8e: {  	[smem:$0x3FC4] =	sst s2  }
0x8f: {  	_ = 	snop  }
0x90: {  	s2 =	sld [smem:$0x3FD0]  }
0x91: {  	s15 =	sld [smem:$0x3FC8]  }
0x92: {  	s4 =	sld [smem:$0x3FC7]  }
0x93: {  	s6 =	simm.s32 $0xA;
	s7 =	simm.s32 $0x10;
	s5 =	sld [smem:$0x3FC6]  }
0x94: {  	[smem:s7], [sflag:s6] =	dma.local [hbm:s2], $0x1  }
0x95: {  	_ =	swait.eq [sflag:s6], $0x1  }
0x96: {  	[sflag:s6] =	ssyncset.done $0x0  }
0x97: {  	[sflag:s6] =	ssyncadd.s32 $0xFFFFFFFF  }
0x98: {  	s16 =	sld [smem:$0x10];
	(tm) =	ssettm $0x1  }
0x99: {  	s17 =	sld [smem:$0x3FFB];
	_ =	sdelay $0x3  }
0x9a: {  	_ =	strace s17  }
0x9b: {  	s6 =	sld [smem:$0x3FFC];
	_ =	sdelay $0x3  }
0x9c: {  	_ =	strace s6  }
0x9d: {  	s6 =	sld [smem:$0x3FFD];
	_ =	sdelay $0x3  }
0x9e: {  	_ =	strace s6  }
0x9f: {  	_ =	strace $0x8FFFFFFF  }
0xa0: {  	s18 =	sld [smem:$0x3FDB];
	_ =	sdelay $0x1  }
0xa1: {  	s19 =	simm.s32 $_scs_section_size  }
0xa2: {  	s8 =	simm.s32 $_size__tile_overlayer_lowered;
	s9 =	simm.s32 $_tile_overlayer_lowered  }
0xa3: {  	s22 =	simm.s32 $0x1BFF;
	s21 =	sshll.u32 s9, $0x1;
	s6 =	sadd.s32 s19, s18  }
0xa4: {  	s10 =	simm.s32 $0x0;
	s20 =	sshll.u32 s8, $0x1;
	s8 =	sadd.s32 s21, s6  }
0xa5: {  	[timem:s10], [sflag:s22] =	dma.local [hbm:s8], s20  }
0xa6: {  	_ =	swait.ge [sflag:s22], s20  }
0xa7: {  	s7 =	ssub.s32 $0x0, s20;
	[sflag:s22] =	ssyncset.done $0x0  }
0xa8: {  	[sflag:s22] =	ssyncadd.s32 s7;
	_ =	sdelay $0x1  }
0xa9: {  	s23 =	simm.s32 $0x1B8B  }
0xaa: {  	_ =	swait.ge [sflag:s23], $0x1  }
0xab: {  	[sflag:s23] =	ssyncset.done $0x0  }
0xac: {  	s25 =	simm.s32 $0x1B8E;
	s24 =	sld [smem:$0x3FFE];
	[sflag:s23] =	ssyncadd.s32 $0xFFFFFFFF  }
0xad: {  	s26 =	simm.s32 $execute0_lowered;
	[smem:$0x3FD2] =	sst s25  }
0xae: {  	s8 =	sshll.u32 s26, $0x1;
	_ =	strace $0x80000046;
	[dreg:$0x1] =	wrdreg $0xFFFFFFFF  }
0xaf: {  	s28 =	simm.s32 $_size_execute0_lowered;
	s6 =	sadd.s32 s6, s8;
	[dreg:$0x0] =	wrdreg $0x0  }
0xb0: {  	s8 =	sshll.u32 s28, $0x1;
	[dreg:$0x2] =	wrdreg s6  }
0xb1: {  	[dreg:$0x3] =	wrdreg s8  }
0xb2: {  	[dreg:$0x4] =	wrdreg $0xC0  }
0xb3: {  	_ =	task [dreg:s10], $0x5FFFF  }
0xb4: {  	[dreg:$0x1] =	wrdreg $0xFFFFFFFF  }
0xb5: {  	[dreg:$0x0] =	wrdreg $0x60  }
0xb6: {  	[dreg:$0x2] =	wrdreg s24  }
0xb7: {  	[dreg:$0x3] =	wrdreg s15  }
0xb8: {  	[dreg:$0x4] =	wrdreg s4  }
0xb9: {  	[dreg:$0x5] =	wrdreg s5  }
0xba: {  	[dreg:$0x6] =	wrdreg s16  }
0xbb: {  	[dreg:$0x7] =	wrdreg $0x9  }
0xbc: {  	_ =	task.clear_ibuf [dreg:s10], $0x8FFFF;
	_ =	strace $0x90000046  }
0xbd: {  	s29 =	simm.s32 $0x9;
	_ =	strace $0x80000048  }
0xbe: {  	_ =	swait.ge [sflag:s29], $0x1  }
0xbf: {  	[sflag:s29] =	ssyncadd.s32 $0xFFFFFFFF  }
0xc0: {  	_ =	strace $0x90000048  }
0xc1: {  	_ =	sfence  }
0xc2: {  	s30 =	sld [smem:$0x0];
	_ =	sdelay $0x2  }
0xc3: {  	s31 =	sshll.u32 s1, $0xD;
	s1 =	sshrl.u32 s1, $0x2  }
0xc4: {  	s3 =	sand.u32 $0x4000, s31;
	s1 =	sadd.s32 s1, s30  }
0xc5: {  	s0 =	sor.u32 s3, s0;
	s1 =	sshll.u32 s1, $0x11  }
0xc6: {  	s0 =	sor.u32 s1, s0  }
0xc7: {  	s0 =	sadd.s32 $0x8F2B, s0  }
0xc8: {  	[sflag:s0] =	ssyncadd.remote.s32 $0x1  }
0xc9: {  	_ =	sfence.sel $0xFFFF  }
0xca: {  	[dreg:$0x0] =	wrdreg $0xFFFFFFFF;
	(pc) =	sbr.abs _section_cstart, $3  }
0xcb: {  	[dreg:$0x1] =	wrdreg $0xFFFFFFFF  }
0xcc: {  	_ =	task.clear_ibuf [dreg:s10], $0x2FFFF;
	_ =	strace $0x9FFFFFFF  }
0xcd: {  	(tm) =	ssettm $0x7FFFFFFF  }
tec
execute0_lowered:
.L_overlay_start_1:
0x0: {  	(tag) =	ssettag $0x1  }
0x1: {  	v0 =	vimm.s32 $0xFEDCBA98  }
0x2: {  	s0 =	rddreg [dreg:$0x0];
	v1 =	vimm.s32 $0x76543210;
	v2 =	vimm.s32 $0xBA98FEDC;
	v3 =	vimm.s32 $0x32107654  }
0x3: {  	s2 =	srdreg.scid;
	s1 =	rddreg [dreg:$0x1];
	v4 =	vimm.s32 $0xDCFE98BA;
	v5 =	vimm.s32 $0x54761032;
	v6 =	vimm.s32 $0xEFCDAB89  }
0x4: {  	s3 =	stileid.u32;
	s4 =	rddreg [dreg:$0x4];
	v7 =	vimm.s32 $0x67452301;
	v0 =	vunpack.c.l.s4.s8 v0;
	v1 =	vunpack.c.l.s4.s8 v1  }
0x5: {  	s5 =	simm.s32 $0x0;
	s11 =	simm.s32 $0x19900;
	s12 =	simm.s32 $0x7;
	v2 =	vunpack.c.l.s4.s8 v2;
	v3 =	vunpack.c.l.s4.s8 v3;
	v4 =	vunpack.c.l.s4.s8 v4  }
0x6: {  	s13 =	simm.s32 $0x19980;
	s14 =	simm.s32 $0x80;
	s15 =	simm.s32 $0x1900;
	v5 =	vunpack.c.l.s4.s8 v5;
	v6 =	vunpack.c.l.s4.s8 v6;
	v7 =	vunpack.c.l.s4.s8 v7  }
0x7: {  	s16 =	simm.s32 $0x5900;
	s17 =	simm.s32 $0x100;
	s18 =	simm.s32 $0x9900;
	v0 =	vunpack.c.0.s8.s32 v0;
	v2 =	vunpack.c.0.s8.s32 v2;
	v3 =	vunpack.c.0.s8.s32 v3  }
0x8: {  	s19 =	simm.s32 $0x180;
	s20 =	simm.s32 $0xD900;
	s21 =	simm.s32 $0x19A00;
	v4 =	vunpack.c.0.s8.s32 v4;
	v5 =	vunpack.c.0.s8.s32 v5;
	v6 =	vunpack.c.0.s8.s32 v6  }
0x9: {  	s22 =	simm.s32 $0x4;
	s6 =	sand.u32 $0x1, s2;
	s3 =	sshll.u32 s3, $0x1;
	v7 =	vunpack.c.0.s8.s32 v7;
	v1 =	vunpack.c.0.s8.s32 v1;
	v2 =	vcombine.low v3, v2  }
0xa: {  	s23 =	simm.s32 $0x5;
	s24 =	simm.s32 $0x6;
	s9 =	sor.u32 s6, s3;
	v3 =	vcombine.low v5, v4;
	v4 =	vand.u32 $0xF, v0  }
0xb: {  	[smem:$0x7FF] =	sst s5;
	s6 =	ssub.s32 $0x2, s6;
	s7 =	smul.u32 $0x320, s9;
	v5 =	vcombine.low v7, v6;
	v4 =	vcombine.low v4, v1;
	v1 =	vand.u32 $0xF, v2  }
0xc: {  	s25 =	simm.s32 $0x0;
	_ =	strace $0x80000047;
	s31 =	sshrl.u32 s6, $0x1;
	v2 =	vand.u32 $0xF, v3;
	[tilespmem:$0x1FFD0] =	vst v1  }
0xd: {  	s9 =	smul.u32 $0xC8000, s9;
	s6 =	ssub.s32 s6, s31;
	s0 =	sadd.s32 s7, s0;
	v3 =	vand.u32 $0xF, v5;
	[tilespmem:$0x1FFE0] =	vst v2  }
0xe: {  	s10 =	smax.u32 s6, $0x1;
	v0 =	vimm.s32 $0x0;
	s7 =	sadd.s32 $0x800, s0;
	s8 =	sadd.s32 $0x6C00, s0;
	[tilespmem:$0x1FFF0] =	vst v3  }
.LBB2_1:
0xf: {  	s0 =	rddreg [dreg:$0x2]  }
0x10: {  	[tilespmem:s11], [sflag:$0x7] =	stream.linear.gather [hbm4b:s0+s5], $0x80, $0x38;
	[tilespmem:$0x1B300] =	vst v63  }
0x11: {  	_ =	swait.ge [sflag:s12], $0x80  }
0x12: {  	[sflag:s12] =	ssyncset.done $0x0  }
0x13: {  	[sflag:s12] =	ssyncadd.s32 $0xFFFFFF80  }
0x14: {  	s31 =	rddreg [dreg:$0x3]  }
0x15: {  	[tilespmem:s13], [sflag:$0x7] =	stream.linear.gather [hbm4b:s31+s5], $0x80, $0x38;
	[tilespmem:$0x1B300] =	vst v63  }
0x16: {  	_ =	swait.ge [sflag:s12], $0x80  }
0x17: {  	[sflag:s12] =	ssyncset.done $0x0  }
0x18: {  	[sflag:s12] =	ssyncadd.s32 $0xFFFFFF80  }
0x19: {  	[tilespmem:s5], [sflag:$0x7] =	stream.linear.gather [hbm4b:s7+s5], $0x1900, $0x38;
	[tilespmem:$0x1B300] =	vst v63  }
0x1a: {  	_ =	swait.ge [sflag:s12], $0x1900  }
0x1b: {  	[sflag:s12] =	ssyncset.done $0x0  }
0x1c: {  	[sflag:s12] =	ssyncadd.s32 $0xFFFFE700  }
0x1d: {  	[tilespmem:s15], [sflag:$0x1] =	stream.indirect.gather [hbm4b:s1+s14], $0x80, s5, s14, $0xb8;
	[tilespmem:$0x1B300] =	vst v63  }
0x1e: {  	_ = 	snop  }
0x1f: {  	[tilespmem:s16], [sflag:$0x1] =	stream.indirect.gather [hbm4b:s1+s14], $0x80, s14, s14, $0xb8;
	[tilespmem:$0x1B300] =	vst v63  }
0x20: {  	_ = 	snop  }
0x21: {  	[tilespmem:s18], [sflag:$0x2] =	stream.indirect.gather [hbm4b:s1+s14], $0x80, s17, s14, $0xb8;
	[tilespmem:$0x1B300] =	vst v63  }
0x22: {  	s6 =	simm.s32 $0x20  }
0x23: {  	[tilespmem:s20], [sflag:$0x2] =	stream.indirect.gather [hbm4b:s1+s14], $0x80, s19, s14, $0xb8;
	[tilespmem:$0x1B300] =	vst v63  }
0x24: {  	v5 =	vld [tilespmem:s6+$0xFFFFFFE0];
	_ =	sdelay $0x4  }
0x25: {  	vm0 =	veq.s32 v5, $0x0  }
0x26: {  	s0 =	simm.s32 $0x19A20;
	v5 =	vsel vm0, $0x1, v0  }
0x27: {  	[tilespmem:s0+$0xFFFFFFE0] =	vst v5  }
0x28: {  	v5 =	vld [tilespmem:s6+$0xFFFFFFF0];
	_ =	sdelay $0x4  }
0x29: {  	vm13 =	veq.s32 v5, $0x0  }
0x2a: {  	v5 =	vsel vm13, $0x1, v0  }
0x2b: {  	[tilespmem:s0+$0xFFFFFFF0] =	vst v5  }
0x2c: {  	v5 =	vld [tilespmem:s6+$0x0];
	_ =	sdelay $0x4  }
0x2d: {  	vm14 =	veq.s32 v5, $0x0  }
0x2e: {  	v5 =	vsel vm14, $0x1, v0  }
0x2f: {  	[tilespmem:s0+$0x0] =	vst v5  }
0x30: {  	v5 =	vld [tilespmem:s6+$0x10];
	_ =	sdelay $0x4  }
0x31: {  	vm15 =	veq.s32 v5, $0x0  }
0x32: {  	v5 =	vsel vm15, $0x1, v0  }
0x33: {  	s26 =	simm.s32 $0x60;
	s6 =	simm.s32 $0x0;
	[tilespmem:s0+$0x10] =	vst v5  }
.LBB2_2:
0x34: {  	v5 =	vld [tilespmem:s26+$0xFFFFFFE0];
	s6 =	sadd.s32 $0x4, s6  }
0x35: {  	p0 =	slt.u32 s6, $0x18C;
	_ =	sdelay $0x3  }
0x36: {  	vm0 =	veq.s32 v5, $0x0  }
0x37: {  	s0 =	sadd.s32 $0x40, s0;
	v5 =	vsel vm0, $0x1, v0  }
0x38: {  	[tilespmem:s0+$0xFFFFFFE0] =	vst v5  }
0x39: {  	v5 =	vld [tilespmem:s26+$0xFFFFFFF0];
	_ =	sdelay $0x4  }
0x3a: {  	vm0 =	veq.s32 v5, $0x0  }
0x3b: {  	v5 =	vsel vm0, $0x1, v0  }
0x3c: {  	[tilespmem:s0+$0xFFFFFFF0] =	vst v5  }
0x3d: {  	v5 =	vld [tilespmem:s26+$0x0];
	_ =	sdelay $0x4  }
0x3e: {  	vm0 =	veq.s32 v5, $0x0  }
0x3f: {  	v5 =	vsel vm0, $0x1, v0  }
0x40: {  	[tilespmem:s0+$0x0] =	vst v5  }
0x41: {  	v5 =	vld [tilespmem:s26+$0x10];
	_ =	sdelay $0x2  }
.Ltmp0:
0x42: {  	(pc) =	sbr.rel @p0 .LBB2_2-.Ltmp0, $4  }
0x43: {  	_ = 	snop  }
0x44: {  	vm0 =	veq.s32 v5, $0x0  }
0x45: {  	v5 =	vsel vm0, $0x1, v0  }
0x46: {  	s26 =	sadd.s32 $0x40, s26;
	[tilespmem:s0+$0x10] =	vst v5  }
0x47: {  	s26 =	simm.s32 $0x0  }
0x48: {  	[hbm4b:s8+s26] =	stream.linear.scatter [tilespmem:s21], [sflag:$0x7], $0x1900, $0x38;
	[tilespmem:$0x1B300] =	vst v63  }
0x49: {  	_ =	swait.ge [sflag:s12], $0x1900  }
0x4a: {  	[sflag:s12] =	ssyncset.done $0x0  }
0x4b: {  	[sflag:s12] =	ssyncadd.s32 $0xFFFFE700  }
0x4c: {  	v0 =	vld [tilespmem:$0x19980];
	_ =	sdelay $0x4  }
0x4d: {  	[tilespmem:$0x1FED0] =	vst v0;
	v0 =	vld [tilespmem:$0x19990];
	_ =	sdelay $0x4  }
0x4e: {  	[tilespmem:$0x1FEE0] =	vst v0;
	v0 =	vld [tilespmem:$0x199A0];
	_ =	sdelay $0x4  }
0x4f: {  	[tilespmem:$0x1FEF0] =	vst v0;
	v0 =	vld [tilespmem:$0x199B0];
	_ =	sdelay $0x4  }
0x50: {  	[tilespmem:$0x1FF00] =	vst v0;
	v0 =	vld [tilespmem:$0x199C0];
	_ =	sdelay $0x4  }
0x51: {  	[tilespmem:$0x1FF10] =	vst v0;
	v0 =	vld [tilespmem:$0x199D0]  }
0x52: {  	v5 =	vld [tilespmem:$0x19900]  }
0x53: {  	v6 =	vld [tilespmem:$0x19910]  }
0x54: {  	v7 =	vld [tilespmem:$0x19920]  }
0x55: {  	v8 =	vld [tilespmem:$0x19930]  }
0x56: {  	[tilespmem:$0x1FF20] =	vst v0;
	v0 =	vld [tilespmem:$0x199E0]  }
0x57: {  	v9 =	vld [tilespmem:$0x19940];
	[tilespmem:$0x1FF50] =	vst v5  }
0x58: {  	v10 =	vld [tilespmem:$0x19950];
	[tilespmem:$0x1FF60] =	vst v6  }
0x59: {  	v11 =	vld [tilespmem:$0x19960];
	[tilespmem:$0x1FF70] =	vst v7  }
0x5a: {  	v12 =	vld [tilespmem:$0x19970];
	[tilespmem:$0x1FF80] =	vst v8  }
0x5b: {  	[tilespmem:$0x1FF30] =	vst v0;
	v0 =	vld [tilespmem:$0x199F0]  }
0x5c: {  	[tilespmem:$0x1FF90] =	vst v9  }
0x5d: {  	[tilespmem:$0x1FFA0] =	vst v10  }
0x5e: {  	[tilespmem:$0x1FFB0] =	vst v11  }
0x5f: {  	[tilespmem:$0x1FFC0] =	vst v12  }
0x60: {  	s28 =	simm.s32 $0x1900;
	[tilespmem:$0x1FF40] =	vst v0  }
.LBB2_4:
0x61: {  	s0 =	sadd.s32 $0x2, s26;
	p0 =	sgt.u32 s26, $0x16  }
0x62: {  	s6 =	smul.u32 @!p0 $0xAB, s0;
	_ =	sdelay $0x1  }
0x63: {  	s6 =	sshrl.u32 @!p0 s6, $0x9  }
0x64: {  	s29 =	smul.u32 $0xAB, s26;
	s6 =	sand.u32 @!p0 $0x7F, s6  }
0x65: {  	s6 =	smul.u32 @!p0 $0x3, s6  }
0x66: {  	s30 =	smulhi.u32 $0xAAAAAAAB, s26;
	s29 =	sshrl.u32 s29, $0x9  }
0x67: {  	p1 =	seq.s32 @!p0 s26, $0x0;
	s29 =	sand.u32 $0x7F, s29;
	s6 =	ssub.s32 @!p0 s0, s6  }
0x68: {  	p1 =	por p1, p0;
	s29 =	smul.u32 $0x3, s29;
	s6 =	sand.u32 @!p0 $0xFF, s6  }
0x69: {  	s3 =	simm.s32 @!p0 $0x80;
	s30 =	sshrl.u32 s30, $0x1;
	s31 =	sadd.s32 @!p1 $0x4, s6  }
0x6a: {  	s29 =	ssub.s32 s26, s29;
	s0 =	sshll.u32 @!p0 s0, $0x8;
	_ =	swait.ge @!p1 [sflag:s31], $0x8000  }
0x6b: {  	s0 =	sand.u32 @!p0 $0x3FFFFF00, s0;
	s2 =	sshll.u32 @!p0 s6, $0xF;
	[sflag:s31] =	ssyncset.done @!p1 $0x0  }
0x6c: {  	s6 =	sadd.s32 @!p0 $0x1, s6;
	[sflag:s31] =	ssyncadd.s32 @!p1 $0xFFFF8000;
	s31 =	sor.u32 @!p0 $0x1900, s2  }
0x6d: {  	[tilespmem:s31], [sflag:s6] =	stream.indirect.gather @!p0 [hbm4b:s1+s3], $0x80, s0, s3, $0xb8;
	[tilespmem:$0x1B300] =	vst v63  }
0x6e: {  	s29 =	sand.u32 $0xFF, s29;
	s2 =	sor.u32 @!p0 $0x5900, s2;
	s0 =	sor.u32 @!p0 $0x80, s0  }
0x6f: {  	[tilespmem:s2], [sflag:s6] =	stream.indirect.gather @!p0 [hbm4b:s1+s3], $0x80, s0, s3, $0xb8;
	[tilespmem:$0x1B300] =	vst v63  }
0x70: {  	s2 =	smul.u32 $0xFFFA0000, s30;
	s3 =	sadd.s32 $0x1, s29  }
0x71: {  	_ =	swait.ge [sflag:s3], $0x8000  }
0x72: {  	s0 =	sshra.s32 s2, $0x2;
	[sflag:s3] =	ssyncset.done $0x0  }
0x73: {  	s30 =	sadd.s32 s0, s28;
	[sflag:s3] =	ssyncadd.s32 $0xFFFF8000  }
0x74: {  	v13 =	vld [tilespmem:s30+$0x1A0];
	_ =	sdelay $0x3  }
0x75: {  	v14 =	vld [tilespmem:s30+$0x180]  }
0x76: {  	v15 =	vld [tilespmem:s30+$0x190];
	[tilespmem:$0x1FEB0] =	vst v13  }
0x77: {  	v0 =	vld [tilespmem:s30+$0x1B0];
	_ =	sdelay $0x4  }
0x78: {  	[tilespmem:$0x1FEC0] =	vst v0  }
0x79: {  	v57 =	vld [tilespmem:s30+$0x1C0]  }
0x7a: {  	v58 =	vld [tilespmem:s30+$0x30]  }
0x7b: {  	v20 =	vld [tilespmem:s30+$0x1D0]  }
0x7c: {  	v19 =	vld [tilespmem:s30+$0x1E0]  }
0x7d: {  	v35 =	vld [tilespmem:s30+$0x1F0]  }
0x7e: {  	v16 =	vld [tilespmem:s30+$0x10]  }
0x7f: {  	v17 =	vld [tilespmem:s30+$0x20];
	[tilespmem:$0x1FE90] =	vst v58  }
0x80: {  	v28 =	vmul.f32 v14, v14;
	v31 =	vmul.f32 v15, v15;
	v21 =	vld [tilespmem:s30+$0x40];
	_ =	sdelay $0x1  }
0x81: {  	v34 =	vmul.f32 v13, v13;
	v40 =	vadd.f32 v15, v14;
	v28 =	vadd.f32 v31, v28  }
0x82: {  	v36 =	vmul.f32 v0, v0;
	v41 =	vadd.f32 v0, v13;
	v37 =	vmul.f32 v57, v57  }
0x83: {  	v38 =	vmul.f32 v20, v20;
	v43 =	vadd.f32 v20, v57;
	v44 =	vadd.f32 v35, v19  }
0x84: {  	v45 =	vadd.f32 v36, v34;
	v39 =	vmul.f32 v19, v19;
	v42 =	vmul.f32 v35, v35;
	[tilespmem:$0x1FEA0] =	vst v21  }
0x85: {  	v40 =	vadd.f32 v41, v40;
	v59 =	vadd.f32 v44, v43;
	v18 =	vld [tilespmem:s30+$0x50]  }
0x86: {  	v38 =	vadd.f32 v38, v37;
	v39 =	vadd.f32 v42, v39;
	v34 =	vld [tilespmem:s30+$0x60]  }
0x87: {  	v44 =	vadd.f32 v59, v40;
	v32 =	vld [tilespmem:s30+$0x70]  }
0x88: {  	v28 =	vadd.f32 v45, v28;
	v61 =	vadd.f32 v39, v38;
	v33 =	vld [tilespmem:s30+$0x80]  }
0x89: {  	v0 =	vperm.xlane v44, v4;
	v39 =	vld [tilespmem:s30+$0x90]  }
0x8a: {  	v28 =	vadd.f32 v61, v28;
	v41 =	vld [tilespmem:s30+$0xB0]  }
0x8b: {  	v60 =	vmul.f32 v17, v17;
	v62 =	vmul.f32 v58, v58;
	v40 =	vld [tilespmem:s30+$0xC0];
	v49 =	vadd.f32 v44, v0  }
0x8c: {  	v54 =	vmul.f32 v16, v16;
	v55 =	vadd.f32 v58, v17;
	v42 =	vld [tilespmem:s30+$0xD0];
	v13 =	vperm.xlane v28, v4  }
0x8d: {  	v56 =	vadd.f32 v62, v60;
	v63 =	vmul.f32 v21, v21;
	v43 =	vld [tilespmem:s30+$0xE0];
	v52 =	vperm.xlane v49, v1  }
0x8e: {  	v44 =	vld [tilespmem:s30+$0xF0];
	v28 =	vadd.f32 v13, v28;
	v46 =	vmul.f32 v18, v18;
	v47 =	vmul.f32 v34, v34  }
0x8f: {  	v38 =	vld [tilespmem:s30+$0xA0];
	v48 =	vadd.f32 v18, v21;
	v50 =	vmul.f32 v32, v32;
	v36 =	vadd.f32 v32, v34  }
0x90: {  	v51 =	vmul.f32 v33, v33;
	v53 =	vmul.f32 v39, v39;
	v59 =	vadd.f32 v39, v33  }
0x91: {  	v49 =	vadd.f32 v49, v52;
	v37 =	vperm.xlane v28, v1;
	v60 =	vmul.f32 v41, v41  }
0x92: {  	v45 =	vld [tilespmem:s30+$0x100];
	v62 =	vmul.f32 v40, v40;
	v24 =	vmul.f32 v43, v43;
	v30 =	vadd.f32 v42, v40  }
0x93: {  	v22 =	vmul.f32 v44, v44;
	v25 =	vadd.f32 v44, v43;
	v31 =	vadd.f32 v46, v63  }
0x94: {  	v58 =	vadd.f32 v50, v47;
	v50 =	vmul.f32 v38, v38;
	v61 =	vadd.f32 v36, v48;
	v47 =	vld [tilespmem:s30+$0x110]  }
0x95: {  	v63 =	vadd.f32 v41, v38;
	v46 =	vld [tilespmem:s30+$0x120];
	v13 =	vperm.xlane v49, v2;
	v28 =	vadd.f32 v37, v28  }
0x96: {  	v36 =	vmul.f32 v42, v42;
	v51 =	vadd.f32 v53, v51;
	v48 =	vld [tilespmem:s30+$0x130];
	v24 =	vadd.f32 v22, v24  }
0x97: {  	v27 =	vmul.f32 v45, v45;
	v25 =	vadd.f32 v25, v30;
	v0 =	vadd.f32 v49, v13  }
0x98: {  	v37 =	vperm.xlane v28, v2;
	v50 =	vadd.f32 v60, v50;
	v60 =	vld [tilespmem:s30+$0x140];
	v52 =	vadd.f32 v36, v62  }
0x99: {  	v53 =	vld [tilespmem:s30+$0x0];
	v59 =	vadd.f32 v63, v59;
	v31 =	vadd.f32 v58, v31;
	v21 =	vperm.xlane v0, v3  }
0x9a: {  	v36 =	vld [tilespmem:s30+$0x170];
	v49 =	vadd.f32 v37, v28;
	v24 =	vadd.f32 v24, v52;
	v28 =	vmul.f32 v47, v47  }
0x9b: {  	v25 =	vadd.f32 v25, v59;
	v26 =	vmul.f32 v46, v46;
	v23 =	vmul.f32 v48, v48  }
0x9c: {  	v62 =	vld [tilespmem:s30+$0x150];
	v29 =	vadd.f32 v47, v45;
	v21 =	vadd.f32 v0, v21;
	v13 =	vperm.xlane v49, v3  }
0x9d: {  	v37 =	vld [tilespmem:s30+$0x160];
	v63 =	vmul.f32 v60, v60;
	v27 =	vadd.f32 v28, v27;
	v23 =	vadd.f32 v23, v26  }
0x9e: {  	v22 =	vmul.f32 $7.812500000e-03, v21;
	v0 =	vadd.f32 v13, v49;
	v13 =	vmul.f32 v53, v53  }
0x9f: {  	v26 =	vmul.f32 v36, v36;
	v21 =	vadd.f32 v16, v53;
	v23 =	vadd.f32 v23, v27  }
0xa0: {  	v0 =	vmul.f32 $7.812500000e-03, v0;
	v30 =	vmul.f32 v22, v22;
	v49 =	vadd.f32 v54, v13  }
0xa1: {  	v54 =	vadd.f32 v48, v46;
	v21 =	vadd.f32 v55, v21;
	v13 =	vmul.f32 v62, v62  }
0xa2: {  	v28 =	vmul.f32 v37, v37;
	v0 =	vsub.f32 v0, v30;
	v30 =	vadd.f32 v62, v60  }
0xa3: {  	v55 =	vadd.f32 v13, v63;
	v13 =	vadd.f32 v36, v37  }
0xa4: {  	v26 =	vadd.f32 v26, v28;
	v28 =	vadd.f32 v54, v29  }
0xa5: {  	v21 =	vadd.f32 v61, v21;
	v29 =	vadd.f32 v13, v30  }
0xa6: {  	v63 =	vadd.f32 v50, v51;
	v30 =	vadd.f32 v56, v49  }
0xa7: {  	v26 =	vadd.f32 v26, v55;
	v27 =	vadd.f32 v29, v28;
	v28 =	vperm.xlane v21, v4  }
0xa8: {  	v0 =	vadd.f32 $7.812499800e-08, v0;
	v29 =	vadd.f32 v31, v30  }
0xa9: {  	v24 =	vadd.f32 v24, v63;
	v30 =	vperm.xlane v25, v4;
	v21 =	vadd.f32 v21, v28  }
0xaa: {  	v23 =	vadd.f32 v26, v23;
	v26 =	vperm.xlane v27, v4;
	v28 =	vperm.xlane v29, v4  }
0xab: {  	v25 =	vadd.f32 v25, v30;
	v30 =	vperm.xlane v24, v4;
	v31 =	vperm.xlane v21, v1  }
0xac: {  	v26 =	vadd.f32 v27, v26;
	v27 =	vadd.f32 v28, v29;
	v28 =	vperm.xlane v23, v4  }
0xad: {  	v29 =	vperm.xlane v25, v1;
	v24 =	vadd.f32 v30, v24;
	v21 =	vadd.f32 v21, v31  }
0xae: {  	v30 =	vperm.xlane v26, v1;
	v23 =	vadd.f32 v28, v23;
	v28 =	vperm.xlane v27, v1  }
0xaf: {  	v25 =	vadd.f32 v25, v29;
	v29 =	vperm.xlane v24, v1;
	v31 =	vperm.xlane v21, v2  }
0xb0: {  	v26 =	vadd.f32 v26, v30;
	v30 =	vperm.xlane v23, v1;
	v27 =	vadd.f32 v28, v27  }
0xb1: {  	v28 =	vperm.xlane v25, v2;
	v24 =	vadd.f32 v29, v24;
	v21 =	vadd.f32 v21, v31  }
0xb2: {  	v29 =	vperm.xlane v26, v2;
	v23 =	vadd.f32 v30, v23;
	v30 =	vperm.xlane v27, v2  }
0xb3: {  	v25 =	vadd.f32 v25, v28;
	v28 =	vperm.xlane v24, v2;
	v31 =	vperm.xlane v21, v3  }
0xb4: {  	v26 =	vadd.f32 v26, v29;
	v29 =	vperm.xlane v23, v2;
	v27 =	vadd.f32 v30, v27  }
0xb5: {  	v30 =	vperm.xlane v25, v3;
	v24 =	vadd.f32 v28, v24;
	v21 =	vadd.f32 v21, v31  }
0xb6: {  	v28 =	vperm.xlane v26, v3;
	v23 =	vadd.f32 v29, v23;
	v29 =	vperm.xlane v27, v3  }
0xb7: {  	v25 =	vadd.f32 v25, v30;
	v30 =	vperm.xlane v24, v3;
	v21 =	vmul.f32 $7.812500000e-03, v21  }
0xb8: {  	v26 =	vadd.f32 v26, v28;
	v28 =	vperm.xlane v23, v3;
	v27 =	vadd.f32 v29, v27  }
0xb9: {  	v25 =	vmul.f32 $7.812500000e-03, v25;
	v24 =	vadd.f32 v30, v24;
	v29 =	vmul.f32 v21, v21  }
0xba: {  	v30 =	vshra.s32 v0, $0x1;
	v26 =	vmul.f32 $7.812500000e-03, v26;
	v27 =	vmul.f32 $7.812500000e-03, v27  }
0xbb: {  	v23 =	vadd.f32 v28, v23;
	v24 =	vmul.f32 $7.812500000e-03, v24;
	v28 =	vmul.f32 v25, v25  }
0xbc: {  	v0 =	vmul.f32 $5.000000000e-01, v0;
	v30 =	vsub.s32 $0x5F3759DF, v30;
	v27 =	vsub.f32 v27, v29  }
0xbd: {  	v23 =	vmul.f32 $7.812500000e-03, v23;
	v29 =	vmul.f32 v26, v26;
	v24 =	vsub.f32 v24, v28  }
0xbe: {  	v0 =	vmul.f32 v30, v0;
	v27 =	vadd.f32 $7.812499800e-08, v27  }
0xbf: {  	v23 =	vsub.f32 v23, v29;
	v24 =	vadd.f32 $7.812499800e-08, v24  }
0xc0: {  	v0 =	vmul.f32 v30, v0;
	v28 =	vshra.s32 v27, $0x1  }
0xc1: {  	v27 =	vmul.f32 $5.000000000e-01, v27;
	v23 =	vadd.f32 $7.812499800e-08, v23;
	v29 =	vshra.s32 v24, $0x1  }
0xc2: {  	v24 =	vmul.f32 $5.000000000e-01, v24;
	v28 =	vsub.s32 $0x5F3759DF, v28;
	v29 =	vsub.s32 $0x5F3759DF, v29  }
0xc3: {  	v31 =	vshra.s32 v23, $0x1;
	v23 =	vmul.f32 $5.000000000e-01, v23;
	v27 =	vmul.f32 v28, v27  }
0xc4: {  	v0 =	vsub.f32 $1.500000000e+00, v0;
	v24 =	vmul.f32 v29, v24;
	v31 =	vsub.s32 $0x5F3759DF, v31  }
0xc5: {  	v23 =	vmul.f32 v31, v23;
	v27 =	vmul.f32 v28, v27  }
0xc6: {  	v0 =	vmul.f32 v30, v0;
	v24 =	vmul.f32 v29, v24  }
0xc7: {  	v23 =	vmul.f32 v31, v23;
	v27 =	vsub.f32 $1.500000000e+00, v27  }
0xc8: {  	v59 =	vld [tilespmem:$0x1FE90];
	v30 =	vsub.f32 v35, v22;
	v13 =	vmul.f32 v0, v12;
	v24 =	vsub.f32 $1.500000000e+00, v24  }
0xc9: {  	v63 =	vld [tilespmem:$0x1FEA0];
	v27 =	vmul.f32 v28, v27;
	v23 =	vsub.f32 $1.500000000e+00, v23  }
0xca: {  	v17 =	vsub.f32 v17, v21;
	v28 =	vmul.f32 v13, v30;
	v24 =	vmul.f32 v29, v24  }
0xcb: {  	v30 =	vsub.f32 v53, v21;
	v23 =	vmul.f32 v31, v23;
	v31 =	vmul.f32 v27, v5  }
0xcc: {  	v29 =	vsub.f32 v16, v21;
	v56 =	vmul.f32 v27, v6;
	v58 =	vmul.f32 v27, v7  }
0xcd: {  	v61 =	vsub.f32 v59, v21;
	v52 =	vmul.f32 v31, v30;
	v30 =	vmul.f32 v27, v8  }
0xce: {  	v31 =	vsub.f32 v63, v21;
	v49 =	vmul.f32 v56, v29;
	v29 =	vmul.f32 v27, v9  }
0xcf: {  	v34 =	vsub.f32 v34, v21;
	v50 =	vmul.f32 v58, v17;
	v51 =	vmul.f32 v30, v61  }
0xd0: {  	v30 =	vsub.f32 v18, v21;
	v2 =	vmul.f32 v29, v31;
	v29 =	vmul.f32 v27, v10  }
0xd1: {  	v17 =	vsub.f32 v33, v25;
	v31 =	vmul.f32 v27, v11;
	v27 =	vmul.f32 v27, v12  }
0xd2: {  	v21 =	vsub.f32 v32, v21;
	v54 =	vmul.f32 v29, v30;
	v29 =	vmul.f32 v24, v5  }
0xd3: {  	v30 =	vsub.f32 v39, v25;
	v39 =	vmul.f32 v31, v34;
	v31 =	vmul.f32 v24, v6  }
0xd4: {  	v18 =	vsub.f32 v38, v25;
	v21 =	vmul.f32 v27, v21;
	v27 =	vmul.f32 v24, v7  }
0xd5: {  	v38 =	vsub.f32 v41, v25;
	v55 =	vmul.f32 v29, v17;
	v29 =	vmul.f32 v24, v8  }
0xd6: {  	v41 =	vsub.f32 v40, v25;
	v56 =	vmul.f32 v31, v30;
	v30 =	vmul.f32 v24, v9  }
0xd7: {  	v58 =	vmul.f32 v27, v18;
	v27 =	vsub.f32 v42, v25;
	v42 =	vmul.f32 v24, v11  }
0xd8: {  	v31 =	vsub.f32 v43, v25;
	v59 =	vmul.f32 v29, v38;
	v29 =	vmul.f32 v30, v41  }
0xd9: {  	v25 =	vsub.f32 v44, v25;
	v30 =	vmul.f32 v24, v10;
	v24 =	vmul.f32 v24, v12;
	_ =	sdelay $0x1  }
0xda: {  	v32 =	vmul.f32 v24, v25;
	v25 =	vsub.f32 v48, v26  }
0xdb: {  	v48 =	vsub.f32 v60, v26;
	v60 =	vsub.f32 v62, v26;
	v62 =	vld [tilespmem:$0x1FF40]  }
0xdc: {  	v43 =	vsub.f32 v45, v26;
	v30 =	vmul.f32 v30, v27;
	v27 =	vmul.f32 v23, v5;
	_ =	sdelay $0x1  }
0xdd: {  	v61 =	vsub.f32 v37, v26;
	v33 =	vmul.f32 v27, v43;
	v27 =	vmul.f32 v23, v8  }
0xde: {  	v63 =	vld [tilespmem:$0x1FED0];
	v44 =	vsub.f32 v47, v26;
	v47 =	vsub.f32 v46, v26  }
0xdf: {  	v26 =	vsub.f32 v36, v26;
	v36 =	vmul.f32 v27, v25;
	v27 =	vadd.f32 v28, v62;
	_ =	sdelay $0x1  }
0xe0: {  	[tilespmem:s30+$0x1F0] =	vst v27  }
0xe1: {  	v46 =	vsub.f32 v14, v22;
	v14 =	vld [tilespmem:$0x1FEE0]  }
0xe2: {  	v28 =	vadd.f32 v52, v63  }
0xe3: {  	v24 =	vmul.f32 v23, v7  }
0xe4: {  	[tilespmem:s30+$0x0] =	vst v28  }
0xe5: {  	v35 =	vmul.f32 v24, v47;
	v47 =	vsub.f32 v15, v22;
	v15 =	vld [tilespmem:$0x1FEF0]  }
0xe6: {  	v27 =	vadd.f32 v49, v14;
	_ =	sdelay $0x1  }
0xe7: {  	v24 =	vmul.f32 v23, v9;
	[tilespmem:s30+$0x10] =	vst v27  }
0xe8: {  	v25 =	vmul.f32 v23, v10;
	v49 =	vld [tilespmem:$0x1FF00]  }
0xe9: {  	v37 =	vmul.f32 v24, v48;
	v48 =	vadd.f32 v50, v15  }
0xea: {  	v45 =	vmul.f32 v23, v6;
	v38 =	vmul.f32 v25, v60  }
0xeb: {  	v25 =	vmul.f32 v23, v11;
	v23 =	vmul.f32 v23, v12;
	[tilespmem:s30+$0x20] =	vst v48  }
0xec: {  	v50 =	vld [tilespmem:$0x1FF10]  }
0xed: {  	v27 =	vmul.f32 v23, v26;
	v23 =	vadd.f32 v51, v49;
	_ =	sdelay $0x1  }
0xee: {  	v24 =	vmul.f32 v0, v5;
	[tilespmem:s30+$0x30] =	vst v23  }
0xef: {  	v52 =	vld [tilespmem:$0x1FF20]  }
0xf0: {  	v31 =	vmul.f32 v42, v31;
	v42 =	vmul.f32 v24, v46;
	v24 =	vadd.f32 v2, v50;
	_ =	sdelay $0x1  }
0xf1: {  	v51 =	vld [tilespmem:$0x1FEB0];
	[tilespmem:s30+$0x40] =	vst v24  }
0xf2: {  	v34 =	vmul.f32 v45, v44;
	v53 =	vld [tilespmem:$0x1FEC0]  }
0xf3: {  	v21 =	vadd.f32 v21, v62;
	v28 =	vmul.f32 v0, v6;
	v26 =	vadd.f32 v54, v52;
	v54 =	vld [tilespmem:$0x1FF30]  }
0xf4: {  	v62 =	vsub.f32 v20, v22;
	v41 =	vmul.f32 v25, v61;
	v61 =	vmul.f32 v0, v10  }
0xf5: {  	v63 =	vadd.f32 v55, v63;
	v60 =	vsub.f32 v57, v22;
	v40 =	vmul.f32 v28, v47  }
0xf6: {  	v43 =	vmul.f32 v61, v62;
	v23 =	vmul.f32 v0, v7;
	v25 =	vsub.f32 v51, v22;
	[tilespmem:s30+$0x70] =	vst v21  }
0xf7: {  	v24 =	vmul.f32 v0, v8;
	v21 =	vadd.f32 v56, v14;
	[tilespmem:s30+$0x80] =	vst v63;
	v28 =	vsub.f32 v53, v22  }
0xf8: {  	v22 =	vsub.f32 v19, v22;
	[tilespmem:s30+$0x50] =	vst v26;
	v26 =	vmul.f32 v0, v9;
	v39 =	vadd.f32 v39, v54  }
0xf9: {  	s6 =	sshll.u32 s29, $0xF;
	v53 =	vmul.f32 v0, v11;
	v45 =	vmul.f32 v23, v25;
	[tilespmem:s30+$0x90] =	vst v21;
	v23 =	vadd.f32 v59, v49  }
0xfa: {  	s31 =	sor.u32 $0x1900, s6;
	s6 =	simm.s32 $0x0;
	s0 =	sadd.s32 $0x200, s30;
	v44 =	vmul.f32 v26, v60;
	[tilespmem:s30+$0x60] =	vst v39;
	v39 =	vmul.f32 v24, v28;
	v24 =	vadd.f32 v58, v15  }
.LBB2_5:
0xfb: {  	v10 =	vld [tilespmem:s0+$0x180]  }
0xfc: {  	v9 =	vld [tilespmem:$0x1FF10]  }
0xfd: {  	v8 =	vld [tilespmem:$0x1FF20]  }
0xfe: {  	v11 =	vld [tilespmem:s0+$0x190]  }
0xff: {  	v7 =	vld [tilespmem:$0x1FF30]  }
0x100: {  	v5 =	vld [tilespmem:$0x1FED0]  }
0x101: {  	v3 =	vld [tilespmem:$0x1FEE0]  }
0x102: {  	v12 =	vld [tilespmem:s0+$0x1B0]  }
0x103: {  	v2 =	vld [tilespmem:$0x1FEF0]  }
0x104: {  	v1 =	vld [tilespmem:$0x1FF00]  }
0x105: {  	v52 =	vld [tilespmem:s0+$0x1F0]  }
0x106: {  	v21 =	vld [tilespmem:s0+$0x20]  }
0x107: {  	[tilespmem:s30+$0xB0] =	vst v23;
	v23 =	vld [tilespmem:s0+$0x1A0]  }
0x108: {  	v25 =	vadd.f32 v30, v8;
	v30 =	vmul.f32 v53, v22;
	v22 =	vld [tilespmem:$0x1FF40]  }
0x109: {  	[tilespmem:s30+$0xA0] =	vst v24;
	v13 =	vadd.f32 v39, v1;
	v39 =	vld [tilespmem:s0+$0x10]  }
0x10a: {  	v0 =	vadd.f32 v29, v9;
	v56 =	vadd.f32 v33, v5;
	[tilespmem:$0x1FE60] =	vst v11;
	v33 =	vld [tilespmem:s0+$0x70]  }
0x10b: {  	v29 =	vadd.f32 v34, v3;
	[tilespmem:$0x1FE70] =	vst v12;
	v34 =	vld [tilespmem:s0+$0x80]  }
0x10c: {  	v26 =	vadd.f32 v31, v7;
	v53 =	vld [tilespmem:s0+$0x0];
	[tilespmem:s30+$0xC0] =	vst v0  }
0x10d: {  	v31 =	vadd.f32 v35, v2;
	[tilespmem:s30+$0xD0] =	vst v25;
	v25 =	vld [tilespmem:s0+$0x1C0]  }
0x10e: {  	v57 =	vadd.f32 v36, v1;
	v58 =	vadd.f32 v37, v9;
	[tilespmem:s30+$0xE0] =	vst v26;
	v26 =	vld [tilespmem:s0+$0x1D0]  }
0x10f: {  	v59 =	vadd.f32 v38, v8;
	v60 =	vadd.f32 v41, v7;
	[tilespmem:s30+$0x110] =	vst v29;
	v29 =	vld [tilespmem:s0+$0x30]  }
0x110: {  	v62 =	vadd.f32 v42, v5;
	[tilespmem:s30+$0x100] =	vst v56;
	v49 =	vadd.f32 v30, v7;
	v30 =	vld [tilespmem:s0+$0x40]  }
0x111: {  	v63 =	vadd.f32 v40, v3;
	v38 =	vadd.f32 v45, v2;
	[tilespmem:s30+$0x120] =	vst v31;
	v31 =	vld [tilespmem:s0+$0x50]  }
0x112: {  	v14 =	vmul.f32 v10, v10;
	v15 =	vmul.f32 v11, v11;
	v44 =	vadd.f32 v44, v9;
	[tilespmem:s30+$0x130] =	vst v57;
	v35 =	vld [tilespmem:s0+$0x90]  }
0x113: {  	v46 =	vmul.f32 v12, v12;
	v43 =	vadd.f32 v43, v8;
	v16 =	vmul.f32 v23, v23;
	[tilespmem:s30+$0x140] =	vst v58;
	v36 =	vld [tilespmem:s0+$0xA0]  }
0x114: {  	v51 =	vadd.f32 v11, v10;
	v18 =	vmul.f32 v52, v52;
	v17 =	vadd.f32 v12, v23;
	[tilespmem:s30+$0x150] =	vst v59;
	v37 =	vld [tilespmem:s0+$0xB0]  }
0x115: {  	[tilespmem:s30+$0x160] =	vst v60;
	v41 =	vadd.f32 v15, v14;
	v57 =	vmul.f32 v21, v21;
	v19 =	vadd.f32 v46, v16;
	v45 =	vld [tilespmem:s0+$0x110]  }
0x116: {  	[tilespmem:s30+$0x190] =	vst v63;
	v28 =	vadd.f32 v32, v22;
	v61 =	vadd.f32 v27, v22;
	v27 =	vld [tilespmem:s0+$0x1E0];
	v56 =	vmul.f32 v39, v39  }
0x117: {  	[tilespmem:s30+$0x1A0] =	vst v38;
	v32 =	vld [tilespmem:s0+$0x60];
	v41 =	vadd.f32 v19, v41;
	v12 =	vmul.f32 v33, v33;
	v14 =	vmul.f32 v34, v34  }
0x118: {  	[tilespmem:s30+$0x1D0] =	vst v43;
	v43 =	vld [tilespmem:s0+$0x100];
	v20 =	vadd.f32 v39, v53;
	v47 =	vmul.f32 v25, v25;
	v48 =	vmul.f32 v26, v26  }
0x119: {  	v54 =	vadd.f32 v26, v25;
	[tilespmem:s30+$0x170] =	vst v61;
	v60 =	vmul.f32 v29, v29;
	v61 =	vadd.f32 v17, v51  }
0x11a: {  	[tilespmem:s30+$0x1C0] =	vst v44;
	v63 =	vmul.f32 v30, v30;
	v11 =	vadd.f32 v31, v30;
	v15 =	vmul.f32 v35, v35  }
0x11b: {  	v44 =	vld [tilespmem:s0+$0x120];
	[tilespmem:s30+$0xF0] =	vst v28;
	v17 =	vmul.f32 v36, v36;
	v58 =	vadd.f32 v48, v47;
	v0 =	vadd.f32 v60, v57  }
0x11c: {  	[tilespmem:s30+$0x1B0] =	vst v13;
	v38 =	vld [tilespmem:s0+$0xC0];
	v50 =	vmul.f32 v27, v27;
	v55 =	vadd.f32 v52, v27;
	v13 =	vadd.f32 v33, v32  }
0x11d: {  	v40 =	vld [tilespmem:s0+$0xD0];
	v60 =	vmul.f32 v37, v37;
	v7 =	vadd.f32 v15, v14;
	v15 =	vadd.f32 v45, v43  }
0x11e: {  	[tilespmem:s30+$0x180] =	vst v62;
	v8 =	vmul.f32 v31, v31;
	v59 =	vadd.f32 v18, v50;
	v62 =	vadd.f32 v55, v54  }
0x11f: {  	[tilespmem:$0x1FE50] =	vst v10;
	v10 =	vmul.f32 v32, v32;
	v60 =	vadd.f32 v60, v17;
	v54 =	vadd.f32 v29, v21  }
0x120: {  	v14 =	vmul.f32 v44, v44;
	v46 =	vadd.f32 v59, v58;
	v9 =	vadd.f32 v62, v61  }
0x121: {  	v2 =	vld [tilespmem:$0x1FFD0];
	v55 =	vadd.f32 v8, v63;
	v63 =	vadd.f32 v37, v36;
	v18 =	vmul.f32 v38, v38  }
0x122: {  	v42 =	vld [tilespmem:s0+$0xF0];
	v8 =	vadd.f32 v40, v38;
	v46 =	vadd.f32 v46, v41;
	v50 =	vperm.xlane v9, v4  }
0x123: {  	v57 =	vmul.f32 v40, v40;
	v7 =	vadd.f32 v60, v7;
	v58 =	vadd.f32 v12, v10;
	v41 =	vld [tilespmem:s0+$0xE0]  }
0x124: {  	[tilespmem:s30+$0x1E0] =	vst v49;
	v49 =	vld [tilespmem:s0+$0x150];
	v59 =	vadd.f32 v35, v34;
	v47 =	vadd.f32 v9, v50;
	v16 =	vperm.xlane v46, v4  }
0x125: {  	v3 =	vld [tilespmem:$0x1FFE0];
	v62 =	vadd.f32 v13, v11;
	v11 =	vmul.f32 v43, v43;
	v12 =	vmul.f32 v45, v45  }
0x126: {  	v48 =	vld [tilespmem:s0+$0x160];
	v20 =	vadd.f32 v54, v20;
	v61 =	vperm.xlane v47, v2;
	v50 =	vadd.f32 v16, v46  }
0x127: {  	v24 =	vld [tilespmem:$0x1FFF0];
	v57 =	vadd.f32 v57, v18;
	v59 =	vadd.f32 v63, v59;
	v9 =	vmul.f32 v42, v42  }
0x128: {  	v6 =	vmul.f32 v41, v41;
	v61 =	vadd.f32 v47, v61;
	v5 =	vperm.xlane v50, v2;
	v47 =	vld [tilespmem:s0+$0x140]  }
0x129: {  	v17 =	vmul.f32 v49, v49;
	v11 =	vadd.f32 v12, v11;
	v46 =	vld [tilespmem:s0+$0x130];
	v10 =	vadd.f32 v42, v41  }
0x12a: {  	v6 =	vadd.f32 v9, v6;
	v19 =	vperm.xlane v61, v3;
	v5 =	vadd.f32 v5, v50;
	v50 =	vld [tilespmem:s0+$0x170]  }
0x12b: {  	v63 =	vmul.f32 v48, v48;
	v55 =	vadd.f32 v58, v55;
	v8 =	vadd.f32 v10, v8  }
0x12c: {  	v6 =	vadd.f32 v6, v57;
	v61 =	vadd.f32 v61, v19;
	v13 =	vperm.xlane v5, v3  }
0x12d: {  	v8 =	vadd.f32 v8, v59;
	v9 =	vmul.f32 v47, v47;
	v18 =	vadd.f32 v49, v47  }
0x12e: {  	v6 =	vadd.f32 v6, v7;
	v1 =	vperm.xlane v61, v24;
	v5 =	vadd.f32 v13, v5  }
0x12f: {  	v7 =	vperm.xlane v8, v4;
	v13 =	vadd.f32 v46, v44;
	v19 =	vmul.f32 v50, v50  }
0x130: {  	v9 =	vadd.f32 v17, v9;
	v51 =	vadd.f32 v61, v1;
	v1 =	vperm.xlane v5, v24  }
0x131: {  	v7 =	vadd.f32 v8, v7;
	v61 =	vmul.f32 v53, v53;
	v13 =	vadd.f32 v13, v15  }
0x132: {  	v16 =	vmul.f32 v46, v46;
	v63 =	vadd.f32 v19, v63;
	v5 =	vadd.f32 v1, v5  }
0x133: {  	v51 =	vmul.f32 $7.812500000e-03, v51;
	v1 =	vadd.f32 v50, v48;
	v56 =	vadd.f32 v56, v61  }
0x134: {  	v61 =	vadd.f32 v16, v14;
	v9 =	vadd.f32 v63, v9  }
0x135: {  	v5 =	vmul.f32 $7.812500000e-03, v5;
	v10 =	vmul.f32 v51, v51;
	v1 =	vadd.f32 v1, v18  }
0x136: {  	v0 =	vadd.f32 v0, v56;
	v56 =	vadd.f32 v62, v20  }
0x137: {  	v63 =	vperm.xlane v6, v4;
	v57 =	vsub.f32 v52, v51;
	v5 =	vsub.f32 v5, v10  }
0x138: {  	v10 =	vadd.f32 v61, v11;
	v1 =	vadd.f32 v1, v13  }
0x139: {  	v6 =	vadd.f32 v63, v6;
	v58 =	vperm.xlane v56, v4;
	v0 =	vadd.f32 v55, v0  }
0x13a: {  	v5 =	vadd.f32 $7.812499800e-08, v5;
	v9 =	vadd.f32 v9, v10;
	v60 =	vperm.xlane v1, v4  }
0x13b: {  	v61 =	vadd.f32 v56, v58;
	v62 =	vperm.xlane v0, v4;
	v56 =	vperm.xlane v7, v2  }
0x13c: {  	v54 =	vshra.s32 v5, $0x1;
	v5 =	vmul.f32 $5.000000000e-01, v5;
	v1 =	vadd.f32 v1, v60  }
0x13d: {  	v0 =	vadd.f32 v62, v0;
	v55 =	vperm.xlane v9, v4;
	v7 =	vadd.f32 v7, v56  }
0x13e: {  	v62 =	vperm.xlane v6, v2;
	v14 =	vsub.s32 $0x5F3759DF, v54;
	v54 =	vperm.xlane v61, v2  }
0x13f: {  	v5 =	vmul.f32 v14, v5;
	v59 =	vperm.xlane v1, v2;
	v9 =	vadd.f32 v55, v9  }
0x140: {  	v60 =	vperm.xlane v0, v2;
	v18 =	vperm.xlane v7, v3;
	v6 =	vadd.f32 v62, v6  }
0x141: {  	v10 =	vadd.f32 v61, v54;
	v5 =	vmul.f32 v14, v5;
	v1 =	vadd.f32 v1, v59  }
0x142: {  	v16 =	vld [tilespmem:$0x1FFC0];
	v17 =	vperm.xlane v9, v2;
	v0 =	vadd.f32 v60, v0;
	v54 =	vperm.xlane v6, v3  }
0x143: {  	v7 =	vadd.f32 v7, v18;
	v63 =	vperm.xlane v10, v3;
	v5 =	vsub.f32 $1.500000000e+00, v5  }
0x144: {  	v9 =	vadd.f32 v17, v9;
	v52 =	vperm.xlane v0, v3;
	v6 =	vadd.f32 v54, v6  }
0x145: {  	v28 =	vmovc v4;
	v4 =	vld [tilespmem:$0x1FF90];
	v19 =	vperm.xlane v1, v3;
	v8 =	vadd.f32 v10, v63;
	v5 =	vmul.f32 v14, v5  }
0x146: {  	v56 =	vperm.xlane v9, v3;
	v0 =	vadd.f32 v52, v0;
	v60 =	vperm.xlane v6, v24  }
0x147: {  	v1 =	vadd.f32 v1, v19;
	v55 =	vperm.xlane v8, v24;
	v58 =	vmul.f32 v5, v16  }
0x148: {  	v9 =	vadd.f32 v56, v9;
	v59 =	vperm.xlane v0, v24;
	v6 =	vadd.f32 v60, v6  }
0x149: {  	v8 =	vadd.f32 v8, v55;
	v61 =	vmul.f32 v58, v57;
	v57 =	vperm.xlane v7, v24  }
0x14a: {  	v3 =	vld [tilespmem:$0x1FF60];
	v15 =	vmul.f32 v5, v4;
	v58 =	vperm.xlane v1, v24;
	v0 =	vadd.f32 v59, v0  }
0x14b: {  	v8 =	vmul.f32 $7.812500000e-03, v8;
	v12 =	vadd.f32 v61, v22;
	v7 =	vadd.f32 v7, v57  }
0x14c: {  	v52 =	vld [tilespmem:$0x1FFA0];
	v1 =	vadd.f32 v1, v58;
	v61 =	vperm.xlane v9, v24;
	v0 =	vmul.f32 $7.812500000e-03, v0  }
0x14d: {  	v2 =	vld [tilespmem:$0x1FF50];
	v62 =	vmul.f32 v8, v8;
	v7 =	vmul.f32 $7.812500000e-03, v7  }
0x14e: {  	v6 =	vmul.f32 $7.812500000e-03, v6;
	v1 =	vmul.f32 $7.812500000e-03, v1;
	v9 =	vadd.f32 v61, v9  }
0x14f: {  	v55 =	vmul.f32 v5, v3;
	v0 =	vsub.f32 v0, v62;
	v63 =	vmul.f32 v7, v7  }
0x150: {  	v11 =	vsub.f32 v53, v8;
	v9 =	vmul.f32 $7.812500000e-03, v9;
	v14 =	vmul.f32 v1, v1  }
0x151: {  	[tilespmem:$0x1FE80] =	vst v15;
	v54 =	vmul.f32 v5, v52;
	v15 =	vsub.f32 v21, v8;
	v0 =	vadd.f32 $7.812499800e-08, v0  }
0x152: {  	v24 =	vmul.f32 v5, v2;
	v6 =	vsub.f32 v6, v63;
	v9 =	vsub.f32 v9, v14  }
0x153: {  	v22 =	vsub.f32 v30, v8;
	v17 =	vshra.s32 v0, $0x1;
	v0 =	vmul.f32 $5.000000000e-01, v0  }
0x154: {  	v21 =	vld [tilespmem:$0x1FFB0];
	v6 =	vadd.f32 $7.812499800e-08, v6;
	v9 =	vadd.f32 $7.812499800e-08, v9;
	v10 =	vsub.s32 $0x5F3759DF, v17  }
0x155: {  	[tilespmem:s0+$0x1F0] =	vst v12;
	v12 =	vsub.f32 v39, v8;
	v62 =	vld [tilespmem:$0x1FF70];
	v20 =	vsub.f32 v36, v7;
	v0 =	vmul.f32 v10, v0  }
0x156: {  	v18 =	vshra.s32 v6, $0x1;
	v6 =	vmul.f32 $5.000000000e-01, v6;
	v19 =	vshra.s32 v9, $0x1  }
0x157: {  	v63 =	vld [tilespmem:$0x1FF80];
	v9 =	vmul.f32 $5.000000000e-01, v9;
	v13 =	vsub.s32 $0x5F3759DF, v18;
	v0 =	vmul.f32 v10, v0  }
0x158: {  	v36 =	vsub.f32 v40, v7;
	v14 =	vsub.s32 $0x5F3759DF, v19;
	v6 =	vmul.f32 v13, v6  }
0x159: {  	v53 =	vmul.f32 v5, v21;
	v9 =	vmul.f32 v14, v9;
	v0 =	vsub.f32 $1.500000000e+00, v0  }
0x15a: {  	v40 =	vsub.f32 v41, v7;
	v39 =	vmul.f32 v5, v62;
	v6 =	vmul.f32 v13, v6  }
0x15b: {  	v17 =	vsub.f32 v31, v8;
	v9 =	vmul.f32 v14, v9;
	v0 =	vmul.f32 v10, v0  }
0x15c: {  	v56 =	vmul.f32 v5, v63;
	v5 =	vsub.f32 v29, v8;
	v6 =	vsub.f32 $1.500000000e+00, v6  }
0x15d: {  	v18 =	vsub.f32 v32, v8;
	v9 =	vsub.f32 $1.500000000e+00, v9;
	v19 =	vmul.f32 v0, v3  }
0x15e: {  	v8 =	vsub.f32 v33, v8;
	v29 =	vmul.f32 v0, v62;
	v6 =	vmul.f32 v13, v6  }
0x15f: {  	v10 =	vsub.f32 v34, v7;
	v9 =	vmul.f32 v14, v9;
	v14 =	vmul.f32 v0, v2  }
0x160: {  	v34 =	vsub.f32 v38, v7;
	v33 =	vmul.f32 v0, v52;
	v38 =	vmul.f32 v6, v3  }
0x161: {  	v58 =	vmul.f32 v6, v52;
	v11 =	vmul.f32 v14, v11;
	v14 =	vsub.f32 v48, v1;
	v48 =	vld [tilespmem:$0x1FE50]  }
0x162: {  	v43 =	vsub.f32 v43, v1;
	v61 =	vmul.f32 v9, v3;
	v3 =	vmul.f32 v9, v52;
	v52 =	vld [tilespmem:$0x1FE70]  }
0x163: {  	v45 =	vsub.f32 v45, v1;
	v30 =	vmul.f32 v0, v63;
	v32 =	vmul.f32 v0, v4  }
0x164: {  	v13 =	vsub.f32 v35, v7;
	v35 =	vmul.f32 v0, v21;
	v0 =	vmul.f32 v0, v16  }
0x165: {  	v44 =	vsub.f32 v44, v1;
	v12 =	vmul.f32 v19, v12;
	v41 =	vmul.f32 v6, v62  }
0x166: {  	v31 =	vsub.f32 v37, v7;
	v5 =	vmul.f32 v30, v5;
	v37 =	vmul.f32 v6, v2  }
0x167: {  	v19 =	vsub.f32 v48, v51;
	v48 =	vsub.f32 v52, v51;
	v52 =	vmul.f32 v41, v20;
	v20 =	vld [tilespmem:$0x1FF00]  }
0x168: {  	v7 =	vsub.f32 v42, v7;
	v57 =	vmul.f32 v6, v63;
	v42 =	vmul.f32 v6, v4  }
0x169: {  	v46 =	vsub.f32 v46, v1;
	v59 =	vmul.f32 v6, v21;
	v6 =	vmul.f32 v6, v16  }
0x16a: {  	v47 =	vsub.f32 v47, v1;
	v60 =	vmul.f32 v9, v2;
	v62 =	vmul.f32 v9, v62  }
0x16b: {  	v49 =	vsub.f32 v49, v1;
	v63 =	vmul.f32 v9, v63;
	v2 =	vmul.f32 v9, v4  }
0x16c: {  	v4 =	vmul.f32 v9, v21;
	v1 =	vsub.f32 v50, v1;
	v50 =	vld [tilespmem:$0x1FE60];
	v5 =	vadd.f32 v5, v20  }
0x16d: {  	v9 =	vmul.f32 v9, v16;
	v16 =	vmul.f32 v32, v22;
	v22 =	vsub.f32 v27, v51;
	v27 =	vld [tilespmem:$0x1FED0]  }
0x16e: {  	[tilespmem:s0+$0x30] =	vst v5;
	v5 =	vld [tilespmem:$0x1FF20]  }
0x16f: {  	v23 =	vsub.f32 v23, v51;
	v15 =	vmul.f32 v29, v15  }
0x170: {  	v25 =	vsub.f32 v25, v51;
	v17 =	vmul.f32 v33, v17;
	v30 =	vmul.f32 v58, v36;
	v58 =	vld [tilespmem:$0x1FF10]  }
0x171: {  	v26 =	vsub.f32 v26, v51;
	v18 =	vmul.f32 v35, v18;
	v32 =	vmul.f32 v6, v7;
	v6 =	vld [tilespmem:$0x1FF30]  }
0x172: {  	v10 =	vmul.f32 v37, v10;
	v21 =	vsub.f32 v50, v51;
	v11 =	vadd.f32 v11, v27;
	v51 =	vld [tilespmem:$0x1FEE0]  }
0x173: {  	v0 =	vmul.f32 v0, v8;
	v57 =	vmul.f32 v57, v31;
	v50 =	vld [tilespmem:$0x1FEF0];
	v5 =	vadd.f32 v17, v5  }
0x174: {  	v29 =	vmul.f32 v42, v34;
	v34 =	vmul.f32 v61, v45;
	v61 =	vadd.f32 v10, v27;
	[tilespmem:s0+$0x0] =	vst v11  }
0x175: {  	v31 =	vmul.f32 v59, v40;
	v33 =	vmul.f32 v60, v43;
	v8 =	vadd.f32 v16, v58;
	[tilespmem:s0+$0x50] =	vst v5;
	v5 =	vld [tilespmem:$0x1FF40]  }
0x176: {  	s6 =	sadd.s32 $0x4, s6;
	v36 =	vmul.f32 v63, v46;
	v37 =	vmul.f32 v2, v47;
	v6 =	vadd.f32 v18, v6;
	[tilespmem:s0+$0x80] =	vst v61  }
0x177: {  	p0 =	slt.u32 s6, $0xFC;
	v45 =	vmul.f32 v39, v23;
	v63 =	vld [tilespmem:$0x1FE80];
	[tilespmem:s0+$0x40] =	vst v8;
	v35 =	vadd.f32 v12, v51;
	v12 =	vmul.f32 v38, v13  }
.Ltmp1:
0x178: {  	v43 =	vmul.f32 v54, v26;
	v41 =	vmul.f32 v4, v14;
	[tilespmem:s0+$0x60] =	vst v6;
	v38 =	vadd.f32 v15, v50;
	(pc) =	sbr.rel @p0 .LBB2_5-.Ltmp1, $4  }
0x179: {  	v4 =	vmov v28;
	[tilespmem:s0+$0x10] =	vst v35;
	v35 =	vmul.f32 v62, v44;
	v62 =	vadd.f32 v12, v51  }
0x17a: {  	s30 =	smov.u32 s0;
	v27 =	vmul.f32 v9, v1;
	v42 =	vmul.f32 v24, v19;
	[tilespmem:s0+$0x20] =	vst v38;
	v0 =	vadd.f32 v0, v5  }
0x17b: {  	v40 =	vmul.f32 v55, v21;
	v39 =	vmul.f32 v56, v48;
	v24 =	vadd.f32 v52, v50;
	[tilespmem:s30+$0x90] =	vst v62  }
0x17c: {  	v23 =	vadd.f32 v57, v20;
	v38 =	vmul.f32 v3, v49;
	v44 =	vmul.f32 v63, v25;
	[tilespmem:s0+$0x70] =	vst v0;
	s0 =	sadd.s32 $0x200, s0  }
0x17d: {  	[tilespmem:s30+$0xA0] =	vst v24  }
0x17e: {  	v8 =	vld [tilespmem:$0x1FF10];
	_ =	sdelay $0x1  }
0x17f: {  	v9 =	vld [tilespmem:$0x1FF20];
	[tilespmem:s30+$0xB0] =	vst v23  }
0x180: {  	v10 =	vld [tilespmem:$0x1FF30];
	_ =	sdelay $0x1  }
0x181: {  	v0 =	vadd.f32 v29, v8;
	_ =	sdelay $0x1  }
0x182: {  	v1 =	vadd.f32 v30, v9;
	[tilespmem:s30+$0xC0] =	vst v0  }
0x183: {  	v2 =	vadd.f32 v31, v10;
	v11 =	vld [tilespmem:$0x1FF40]  }
0x184: {  	[tilespmem:s30+$0xD0] =	vst v1  }
0x185: {  	v3 =	vld [tilespmem:$0x1FED0];
	[tilespmem:s30+$0xE0] =	vst v2  }
0x186: {  	v5 =	vld [tilespmem:$0x1FEE0];
	_ =	sdelay $0x1  }
0x187: {  	v0 =	vadd.f32 v32, v11;
	_ =	sdelay $0x1  }
0x188: {  	v1 =	vadd.f32 v33, v3;
	[tilespmem:s30+$0xF0] =	vst v0  }
0x189: {  	v2 =	vadd.f32 v34, v5;
	v6 =	vld [tilespmem:$0x1FEF0]  }
0x18a: {  	[tilespmem:s30+$0x100] =	vst v1  }
0x18b: {  	v7 =	vld [tilespmem:$0x1FF00];
	[tilespmem:s30+$0x110] =	vst v2;
	v2 =	vadd.f32 v37, v8;
	_ =	sdelay $0x1  }
0x18c: {  	[tilespmem:s30+$0x140] =	vst v2;
	v2 =	vadd.f32 v27, v11  }
0x18d: {  	v0 =	vadd.f32 v35, v6  }
0x18e: {  	[tilespmem:s30+$0x170] =	vst v2;
	v2 =	vadd.f32 v45, v6  }
0x18f: {  	v1 =	vadd.f32 v36, v7;
	[tilespmem:s30+$0x120] =	vst v0  }
0x190: {  	v0 =	vadd.f32 v38, v9;
	[tilespmem:s30+$0x1A0] =	vst v2  }
0x191: {  	[tilespmem:s30+$0x130] =	vst v1;
	v1 =	vadd.f32 v41, v10  }
0x192: {  	[tilespmem:s30+$0x150] =	vst v0;
	v0 =	vadd.f32 v42, v3  }
0x193: {  	[tilespmem:s30+$0x160] =	vst v1;
	v1 =	vadd.f32 v40, v5  }
0x194: {  	v2 =	vadd.f32 v43, v9;
	[tilespmem:s30+$0x180] =	vst v0  }
0x195: {  	v0 =	vadd.f32 v39, v7;
	[tilespmem:s30+$0x190] =	vst v1;
	v1 =	vmul.f32 v53, v22  }
0x196: {  	v3 =	vadd.f32 v44, v8;
	[tilespmem:s30+$0x1D0] =	vst v2  }
0x197: {  	[tilespmem:s30+$0x1B0] =	vst v0;
	v0 =	vadd.f32 v1, v10  }
0x198: {  	[tilespmem:s30+$0x1C0] =	vst v3  }
0x199: {  	[tilespmem:s30+$0x1E0] =	vst v0  }
0x19a: {  	v1 =	vld [tilespmem:$0x1FFD0]  }
0x19b: {  	v2 =	vld [tilespmem:$0x1FFE0]  }
0x19c: {  	v3 =	vld [tilespmem:$0x1FFF0]  }
0x19d: {  	v5 =	vld [tilespmem:$0x1FF50]  }
0x19e: {  	s0 =	sshll.u32 s26, $0xF;
	s26 =	sadd.s32 $0x1, s26;
	v6 =	vld [tilespmem:$0x1FF60]  }
0x19f: {  	p0 =	sne.s32 s26, $0x19;
	v7 =	vld [tilespmem:$0x1FF70]  }
.Ltmp2:
0x1a0: {  	v8 =	vld [tilespmem:$0x1FF80];
	(pc) =	sbr.rel @p0 .LBB2_4-.Ltmp2, $4  }
0x1a1: {  	s0 =	sadd.s32 s9, s0;
	v9 =	vld [tilespmem:$0x1FF90]  }
0x1a2: {  	s0 =	sshrl.u32 s0, $0x3;
	v10 =	vld [tilespmem:$0x1FFA0]  }
0x1a3: {  	s2 =	sadd.s32 $0x4, s29;
	s28 =	sadd.s32 $0x8000, s28;
	s0 =	sadd.s32 s4, s0;
	v11 =	vld [tilespmem:$0x1FFB0]  }
0x1a4: {  	[hbm4b:s0+s5] =	stream.linear.scatter [tilespmem:s31], [sflag:s2], $0x8000, $0x38;
	v12 =	vld [tilespmem:$0x1FFC0]  }
0x1a5: {  	_ =	swait.ge [sflag:s22], $0x8000  }
0x1a6: {  	[sflag:s22] =	ssyncset.done $0x0  }
0x1a7: {  	s25 =	sadd.s32 $0x1, s25;
	[sflag:s22] =	ssyncadd.s32 $0xFFFF8000  }
0x1a8: {  	p0 =	sne.s32 s25, s10;
	_ =	swait.ge [sflag:s23], $0x8000  }
.Ltmp3:
0x1a9: {  	[sflag:s23] =	ssyncset.done $0x0;
	(pc) =	sbr.rel @p0 .LBB2_1-.Ltmp3, $4  }
0x1aa: {  	[sflag:s23] =	ssyncadd.s32 $0xFFFF8000  }
0x1ab: {  	_ =	swait.ge [sflag:s24], $0x8000  }
0x1ac: {  	[sflag:s24] =	ssyncset.done $0x0  }
0x1ad: {  	v0 =	vimm.s32 $0x0;
	[sflag:s24] =	ssyncadd.s32 $0xFFFF8000  }
0x1ae: {  	_ =	sfence.sel $0x180000  }
0x1af: {  	[bflag:$0x0] =	sbarrier.arrive $0xFFFF  }
0x1b0: {  	_ =	strace $0x90000047  }
0x1b1: {  	s0 =	stileid.u32;
	[bflag:$0x2] =	sbarrier.arrive $0xFFFF  }
0x1b2: {  	p0 =	sne.s32 s0, $0x0;
	s0 =	rddreg [dreg:$0x5]  }
0x1b3: {  	s0 =	sadd.s32 @!p0 $0x100000, s0  }
0x1b4: {  	[sflag:s0] =	ssyncadd.tile.s32 @!p0 $0x1;
	_ =	shalt  }
.Lfunc_end2:
_tile_overlayer_lowered:
.L_overlay_start_2:
0x1b5: {  	(tag) =	ssettag $0x2  }
0x1b6: {  	s0 =	rddreg [dreg:$0x0];
	s2 =	stileid.u32  }
0x1b7: {  	s1 =	rddreg [dreg:$0x1];
	p0 =	sne.s32 s2, $0x0  }
0x1b8: {  	s3 =	rddreg [dreg:$0x2];
	[bflag:$0x3] =	sbarrier.arrive $0xFFFF;
	s2 =	simm.s32 @!p0 $0x1C07  }
0x1b9: {  	[timem:s3], [sflag:s2] =	dma.local @!p0 [hbm:s0], s1  }
0x1ba: {  	s0 =	simm.s32 @!p0 $0x7  }
0x1bb: {  	_ =	swait.ge @!p0 [sflag:s0], s1  }
0x1bc: {  	s1 =	ssub.s32 @!p0 $0x0, s1;
	[sflag:s0] =	ssyncset.done @!p0 $0x0  }
0x1bd: {  	[sflag:s0] =	ssyncadd.s32 @!p0 s1  }
0x1be: {  	[bflag:$0x3] =	sbarrier.arrive $0xFFFF  }
0x1bf: {  	_ =	shalt  }

</sc_bundles>
